<compile_context>
chip_gen: v7x
topology: tpu7x:2x2x1
jax: 0.10.2.dev20260603
libtpu: 0.0.44.dev20260713+nightly
codegen_flags: <defaults>
</compile_context>

<pallas_src>
import functools

import jax
import jax.numpy as jnp
from jax import lax
from jax.experimental import pallas as pl
from jax.experimental.pallas import tpu as pltpu
from jax.experimental.pallas import tpu_sc as plsc

B, S, D = 1024, 20, 64
NNEG = 100
BS = B * S
W = 112
NC, NS = 2, 16
NW = NC * NS
PPW = BS // NW
P = 8
CH = PPW // P
NR = P * NNEG + P


def _sc_body(neg_hbm, tgt_hbm, seq_hbm, table, out_hbm,
             idx0, idx1, rows0, rows1, qs0, qs1, sc0, sc1, sem0, sem1):
    bufs = ((idx0, rows0, qs0, sc0, sem0), (idx1, rows1, qs1, sc1, sem1))
    cid = lax.axis_index("c")
    sid = lax.axis_index("s")
    wid = sid * NC + cid
    lane = lax.iota(jnp.int32, 16)

    def stage(c, buf):
        idx_v, rows_v, qs_v, _, sem = buf
        pair0 = wid * PPW + c * P
        pltpu.sync_copy(neg_hbm.at[pl.ds(pair0 * NNEG, P * NNEG)],
                        idx_v.at[pl.ds(0, P * NNEG)])
        pltpu.sync_copy(tgt_hbm.at[pl.ds(pair0, P)],
                        idx_v.at[pl.ds(P * NNEG, P)])
        pltpu.sync_copy(seq_hbm.at[pl.ds(pair0, P)], qs_v)
        pltpu.async_copy(table.at[idx_v], rows_v, sem)

    def compute(c, buf):
        idx_v, rows_v, qs_v, sc_v, sem = buf
        pair0 = wid * PPW + c * P
        pltpu.make_async_copy(table.at[idx_v], rows_v, sem).wait()

        lane15 = lane == 15

        def pair_body(p, _):
            q = [qs_v[p, pl.ds(k * 16, 16)] for k in range(D // 16)]

            def score_one(row, pos):
                t0 = (rows_v[row, pl.ds(0, 16)] * q[0]
                      + rows_v[row, pl.ds(16, 16)] * q[1])
                t1 = (rows_v[row, pl.ds(32, 16)] * q[2]
                      + rows_v[row, pl.ds(48, 16)] * q[3])
                c = plsc.cumsum(t0 + t1)
                plsc.store_scatter(
                    sc_v, [jnp.full((16,), pos, dtype=jnp.int32)], c, mask=lane15)

            @plsc.parallel_loop(0, NNEG, step=1, unroll=4)
            def _(n):
                score_one(p * NNEG + n, p * W + n)

            score_one(P * NNEG + p, p * W + NNEG)
            return 0

        lax.fori_loop(0, P, pair_body, 0)
        pltpu.sync_copy(sc_v, out_hbm.at[pl.ds(pair0 * W, P * W)])

    stage(0, bufs[0])

    def outer(c2, _):
        for b in range(2):
            c = c2 * 2 + b

            @pl.when(c + 1 < CH)
            def _():
                stage(c + 1, bufs[1 - b])

            compute(c, bufs[b])
        return 0

    lax.fori_loop(0, CH // 2, outer, 0)


@functools.cache
def _sc_scores():
    return pl.kernel(
        _sc_body,
        out_type=jax.ShapeDtypeStruct((BS * W,), jnp.float32),
        mesh=plsc.VectorSubcoreMesh(
            core_axis_name="c", subcore_axis_name="s", num_cores=NC, num_subcores=NS
        ),
        compiler_params=pltpu.CompilerParams(
            needs_layout_passes=False, use_tc_tiling_on_sc=False
        ),
        scratch_types=[
            pltpu.VMEM((NR,), jnp.int32),
            pltpu.VMEM((NR,), jnp.int32),
            pltpu.VMEM((NR, D), jnp.float32),
            pltpu.VMEM((NR, D), jnp.float32),
            pltpu.VMEM((P, D), jnp.float32),
            pltpu.VMEM((P, D), jnp.float32),
            pltpu.VMEM((P * W,), jnp.float32),
            pltpu.VMEM((P * W,), jnp.float32),
            pltpu.SemaphoreType.DMA,
            pltpu.SemaphoreType.DMA,
        ],
    )


_R = 2048


def _tc_loss_body(sc_ref, mask_ref, out_ref, acc_ref):
    i = pl.program_id(0)

    @pl.when(i == 0)
    def _():
        acc_ref[0] = 0.0
        acc_ref[1] = 0.0

    s = sc_ref[...]
    m = mask_ref[...]
    pos = s[:, NNEG:NNEG + 1]
    neg = s[:, :NNEG]
    x = pos - neg
    sig = 1.0 / (1.0 + jnp.exp(-x))
    loss = -jnp.log(sig + 1e-8)
    acc_ref[0] += jnp.sum(loss * m)
    acc_ref[1] += jnp.sum(m)

    @pl.when(i == pl.num_programs(0) - 1)
    def _():
        out_ref[0, 0] = acc_ref[0] / (acc_ref[1] * NNEG)


@functools.cache
def _tc_loss():
    return pl.pallas_call(
        _tc_loss_body,
        grid=(BS // _R,),
        in_specs=[
            pl.BlockSpec((_R, W), lambda i: (i, 0)),
            pl.BlockSpec((_R, 1), lambda i: (i, 0)),
        ],
        out_specs=pl.BlockSpec((1, 1), lambda i: (0, 0), memory_space=pltpu.SMEM),
        out_shape=jax.ShapeDtypeStruct((1, 1), jnp.float32),
        scratch_shapes=[pltpu.SMEM((2,), jnp.float32)],
    )


@jax.jit
def kernel(seq_embs, target_seq, mask, item_emb_table, neg_items):
    scores = _sc_scores()(
        neg_items.reshape(BS * NNEG),
        target_seq.reshape(BS),
        seq_embs.reshape(BS, D),
        item_emb_table,
    ).reshape(BS, W)
    out = _tc_loss()(scores, mask.reshape(BS, 1))
    return out[0, 0]

# --- scband reference (transcript-rebuilt; emitter-appended) ---
"""Pipeline reference for scband-sequence-loss-360777253256 (READ-ONLY COPY).

The authoritative reference and input builder live on the scoring server;
editing this copy changes nothing except your own understanding.
"""

import jax, jax.numpy as jnp
import numpy as np

B, S, D = 1024, 20, 64
VOCAB = 1000000
NNEG = 100

def setup_inputs(seed: int = 0) -> dict:
    key = jax.random.key(seed)
    k1, k2, k3, k4 = jax.random.split(key, 4)
    seq_embs = jax.random.normal(k1, (B, S, D), dtype=jnp.float32)
    target_seq = jax.random.randint(k2, (B, S), 1, VOCAB, dtype=jnp.int64) if jax.config.jax_enable_x64 else jax.random.randint(k2, (B, S), 1, VOCAB).astype(jnp.int32)
    mask = jnp.ones((B, S), dtype=jnp.float32)
    item_emb_table = jax.random.normal(k3, (VOCAB, D), dtype=jnp.float32)
    neg_items = jax.random.randint(k4, (B, S, NNEG), 1, VOCAB).astype(jnp.int32)
    return {"seq_embs": seq_embs, "target_seq": target_seq.astype(jnp.int32), "mask": mask, "item_emb_table": item_emb_table, "neg_items": neg_items}

def reference(seq_embs, target_seq, mask, item_emb_table, neg_items):
    # pos_emb = item_emb_layer(target_seq)  -> embedding gather
    pos_emb = jnp.take(item_emb_table, target_seq, axis=0)          # [B, S, D]
    # neg_emb = item_emb_layer(neg_items)   -> embedding gather (negatives pre-sampled, passed as constants)
    neg_emb = jnp.take(item_emb_table, neg_items, axis=0)           # [B, S, N, D]
    seq_embs_exp = seq_embs[:, :, None, :]                          # [B, S, 1, D]
    pos_score = jnp.sum(seq_embs * pos_emb, axis=-1)                # [B, S]
    neg_score = jnp.sum(seq_embs_exp * neg_emb, axis=-1)            # [B, S, N]
    bpr_loss = -jnp.log(jax.nn.sigmoid(pos_score[..., None] - neg_score) + 1e-08)
    mask_e = jnp.broadcast_to(mask[:, :, None], bpr_loss.shape)
    masked_loss = bpr_loss * mask_e
    return masked_loss.sum() / mask_e.sum()

if __name__ == "__main__":
    import jax
    _d = setup_inputs()
    print(jax.jit(kernel)(*tuple(_d.values())))

</pallas_src>

<mosaic_0001>
#map = affine_map<(d0, d1) -> (0)>
#map1 = affine_map<(d0, d1) -> (0, 0)>
module attributes {stable_mosaic.version = 14 : i64} {
  func.func @_sc_body(%arg0: i32, %arg1: i32, %arg2: memref<2048000xi32, #tpu.memory_space<hbm>>, %arg3: memref<20480xi32, #tpu.memory_space<hbm>>, %arg4: memref<20480x64xf32, #tpu.memory_space<hbm>>, %arg5: memref<1000000x64xf32, #tpu.memory_space<hbm>>, %arg6: memref<2293760xf32, #tpu.memory_space<hbm>>, %arg7: memref<808xi32, #tpu.memory_space<vmem>>, %arg8: memref<808xi32, #tpu.memory_space<vmem>>, %arg9: memref<808x64xf32, #tpu.memory_space<vmem>>, %arg10: memref<808x64xf32, #tpu.memory_space<vmem>>, %arg11: memref<8x64xf32, #tpu.memory_space<vmem>>, %arg12: memref<8x64xf32, #tpu.memory_space<vmem>>, %arg13: memref<896xf32, #tpu.memory_space<vmem>>, %arg14: memref<896xf32, #tpu.memory_space<vmem>>, %arg15: memref<!tpu.dma_semaphore, #tpu.memory_space<semaphore_mem>>, %arg16: memref<!tpu.dma_semaphore, #tpu.memory_space<semaphore_mem>>) attributes {dimension_semantics = [#tpu.dimension_semantics<core_parallel>, #tpu.dimension_semantics<subcore_parallel>], iteration_bounds = array<i64: 2, 16>, scalar_prefetch = 0 : i64, scratch_operands = 10 : i64, tpu.core_type = #tpu.core_type<sc_vector_subcore>, window_params = [{transform_indices = #map}, {transform_indices = #map}, {transform_indices = #map1}, {transform_indices = #map1}, {transform_indices = #map}]} {
    %mul3A = arith.constant 2 : i32
    %mul3A_0 = arith.muli %arg1, %mul3A : i32
    %add3A = arith.addi %mul3A_0, %arg0 : i32
    %iota3A = tpu.iota {dimensions = array<i32: 0>} : vector<16xi32>
    %mul3A_1 = arith.constant 640 : i32
    %mul3A_2 = arith.muli %add3A, %mul3A_1 : i32
    %add3A_3 = arith.constant 0 : i32
    %add3A_4 = arith.addi %mul3A_2, %add3A_3 : i32
    %mul3A_5 = arith.constant 100 : i32
    %mul3A_6 = arith.muli %add3A_4, %mul3A_5 : i32
    "tpu.region"() ({
      %run_scoped3A = tpu.sem_alloc : memref<!tpu.dma_semaphore, #tpu.memory_space<semaphore_mem>>
      %dma_start3A_15 = arith.constant 0 : i32
      %dma_start3A_16 = tpu.memref_slice %arg7[%dma_start3A_15] : memref<808xi32, #tpu.memory_space<vmem>> -> memref<800xi32, #tpu.memory_space<vmem>>
      %dma_start3A_17 = tpu.memref_slice %arg2[%mul3A_6] : memref<2048000xi32, #tpu.memory_space<hbm>> -> memref<800xi32, #tpu.memory_space<hbm>>
      %dma_start3A_18 = arith.constant 0 : i32
      %dma_start3A_19 = tpu.memref_slice %arg7[%dma_start3A_18] : memref<808xi32, #tpu.memory_space<vmem>> -> memref<800xi32, #tpu.memory_space<vmem>>
      %dma_start3A_20 = tpu.memref_slice %arg2[%mul3A_6] : memref<2048000xi32, #tpu.memory_space<hbm>> -> memref<800xi32, #tpu.memory_space<hbm>>
      tpu.enqueue_dma source(%dma_start3A_20 : memref<800xi32, #tpu.memory_space<hbm>>) target(%dma_start3A_19 : memref<800xi32, #tpu.memory_space<vmem>>) target_semaphore(%run_scoped3A : memref<!tpu.dma_semaphore, #tpu.memory_space<semaphore_mem>>)
      %dma_wait3A = arith.constant 0 : i32
      %dma_wait3A_21 = tpu.memref_slice %arg7[%dma_wait3A] : memref<808xi32, #tpu.memory_space<vmem>> -> memref<800xi32, #tpu.memory_space<vmem>>
      %dma_wait3A_22 = tpu.memref_slice %arg2[%mul3A_6] : memref<2048000xi32, #tpu.memory_space<hbm>> -> memref<800xi32, #tpu.memory_space<hbm>>
      %dma_wait3A_23 = arith.constant 0 : i32
      %dma_wait3A_24 = tpu.memref_slice %arg7[%dma_wait3A_23] : memref<808xi32, #tpu.memory_space<vmem>> -> memref<800xi32, #tpu.memory_space<vmem>>
      %dma_wait3A_25 = tpu.memref_slice %arg2[%mul3A_6] : memref<2048000xi32, #tpu.memory_space<hbm>> -> memref<800xi32, #tpu.memory_space<hbm>>
      tpu.wait_dma2 semaphore(%run_scoped3A : memref<!tpu.dma_semaphore, #tpu.memory_space<semaphore_mem>>) src(%dma_wait3A_25 : memref<800xi32, #tpu.memory_space<hbm>>) dst(%dma_wait3A_24 : memref<800xi32, #tpu.memory_space<vmem>>)
      tpu.yield
    }) : () -> ()
    "tpu.region"() ({
      %run_scoped3A = tpu.sem_alloc : memref<!tpu.dma_semaphore, #tpu.memory_space<semaphore_mem>>
      %dma_start3A_15 = arith.constant 800 : i32
      %dma_start3A_16 = tpu.memref_slice %arg7[%dma_start3A_15] : memref<808xi32, #tpu.memory_space<vmem>> -> memref<8xi32, #tpu.memory_space<vmem>>
      %dma_start3A_17 = tpu.memref_slice %arg3[%add3A_4] : memref<20480xi32, #tpu.memory_space<hbm>> -> memref<8xi32, #tpu.memory_space<hbm>>
      %dma_start3A_18 = arith.constant 800 : i32
      %dma_start3A_19 = tpu.memref_slice %arg7[%dma_start3A_18] : memref<808xi32, #tpu.memory_space<vmem>> -> memref<8xi32, #tpu.memory_space<vmem>>
      %dma_start3A_20 = tpu.memref_slice %arg3[%add3A_4] : memref<20480xi32, #tpu.memory_space<hbm>> -> memref<8xi32, #tpu.memory_space<hbm>>
      tpu.enqueue_dma source(%dma_start3A_20 : memref<8xi32, #tpu.memory_space<hbm>>) target(%dma_start3A_19 : memref<8xi32, #tpu.memory_space<vmem>>) target_semaphore(%run_scoped3A : memref<!tpu.dma_semaphore, #tpu.memory_space<semaphore_mem>>)
      %dma_wait3A = arith.constant 800 : i32
      %dma_wait3A_21 = tpu.memref_slice %arg7[%dma_wait3A] : memref<808xi32, #tpu.memory_space<vmem>> -> memref<8xi32, #tpu.memory_space<vmem>>
      %dma_wait3A_22 = tpu.memref_slice %arg3[%add3A_4] : memref<20480xi32, #tpu.memory_space<hbm>> -> memref<8xi32, #tpu.memory_space<hbm>>
      %dma_wait3A_23 = arith.constant 800 : i32
      %dma_wait3A_24 = tpu.memref_slice %arg7[%dma_wait3A_23] : memref<808xi32, #tpu.memory_space<vmem>> -> memref<8xi32, #tpu.memory_space<vmem>>
      %dma_wait3A_25 = tpu.memref_slice %arg3[%add3A_4] : memref<20480xi32, #tpu.memory_space<hbm>> -> memref<8xi32, #tpu.memory_space<hbm>>
      tpu.wait_dma2 semaphore(%run_scoped3A : memref<!tpu.dma_semaphore, #tpu.memory_space<semaphore_mem>>) src(%dma_wait3A_25 : memref<8xi32, #tpu.memory_space<hbm>>) dst(%dma_wait3A_24 : memref<8xi32, #tpu.memory_space<vmem>>)
      tpu.yield
    }) : () -> ()
    "tpu.region"() ({
      %run_scoped3A = tpu.sem_alloc : memref<!tpu.dma_semaphore, #tpu.memory_space<semaphore_mem>>
      %dma_start3A_15 = arith.constant 0 : i32
      %dma_start3A_16 = tpu.memref_slice %arg4[%add3A_4, %dma_start3A_15] : memref<20480x64xf32, #tpu.memory_space<hbm>> -> memref<8x64xf32, #tpu.memory_space<hbm>>
      %dma_start3A_17 = arith.constant 0 : i32
      %dma_start3A_18 = tpu.memref_slice %arg4[%add3A_4, %dma_start3A_17] : memref<20480x64xf32, #tpu.memory_space<hbm>> -> memref<8x64xf32, #tpu.memory_space<hbm>>
      tpu.enqueue_dma source(%dma_start3A_18 : memref<8x64xf32, #tpu.memory_space<hbm>>) target(%arg11 : memref<8x64xf32, #tpu.memory_space<vmem>>) target_semaphore(%run_scoped3A : memref<!tpu.dma_semaphore, #tpu.memory_space<semaphore_mem>>)
      %dma_wait3A = arith.constant 0 : i32
      %dma_wait3A_19 = tpu.memref_slice %arg4[%add3A_4, %dma_wait3A] : memref<20480x64xf32, #tpu.memory_space<hbm>> -> memref<8x64xf32, #tpu.memory_space<hbm>>
      %dma_wait3A_20 = arith.constant 0 : i32
      %dma_wait3A_21 = tpu.memref_slice %arg4[%add3A_4, %dma_wait3A_20] : memref<20480x64xf32, #tpu.memory_space<hbm>> -> memref<8x64xf32, #tpu.memory_space<hbm>>
      tpu.wait_dma2 semaphore(%run_scoped3A : memref<!tpu.dma_semaphore, #tpu.memory_space<semaphore_mem>>) src(%dma_wait3A_21 : memref<8x64xf32, #tpu.memory_space<hbm>>) dst(%arg11 : memref<8x64xf32, #tpu.memory_space<vmem>>)
      tpu.yield
    }) : () -> ()
    %dma_start3A = arith.constant 0 : i32
    %dma_start3A_7 = arith.constant 0 : i32
    %dma_start3A_8 = tpu.memref_slice %arg5[%dma_start3A, %dma_start3A_7] : memref<1000000x64xf32, #tpu.memory_space<hbm>> -> memref<1000000x64xf32, #tpu.memory_space<hbm>>
    tpu.enqueue_indirect_dma source(%dma_start3A_8 : memref<1000000x64xf32, #tpu.memory_space<hbm>>) target(%arg9 : memref<808x64xf32, #tpu.memory_space<vmem>>) offsets(%arg7 : memref<808xi32, #tpu.memory_space<vmem>>) semaphore(%arg15 : memref<!tpu.dma_semaphore, #tpu.memory_space<semaphore_mem>>)
    %scan3A = arith.constant 0 : i32
    %scan3A_9 = arith.constant 0 : i32
    %scan3A_10 = arith.constant 40 : i32
    %scan3A_11 = arith.addi %scan3A_9, %scan3A_10 : i32
    %scan3A_12 = arith.constant 1 : i32
    %scan3A_13 = scf.for %scan3A_15 = %scan3A_9 to %scan3A_11 step %scan3A_12 iter_args(%scan3A_16 = %scan3A) -> (i32)  : i32 {
      %mul3A_17 = arith.constant 2 : i32
      %mul3A_18 = arith.muli %scan3A_15, %mul3A_17 : i32
      %add3A_19 = arith.constant 0 : i32
      %add3A_20 = arith.addi %mul3A_18, %add3A_19 : i32
      %add3A_21 = arith.constant 1 : i32
      %add3A_22 = arith.addi %add3A_20, %add3A_21 : i32
      %lt3A = arith.constant 80 : i32
      %lt3A_23 = arith.cmpi slt, %add3A_22, %lt3A : i32
      %convert_element_type3A = arith.extui %lt3A_23 : i1 to i32
      %cond3A = arith.constant 0 : i32
      %cond3A_24 = arith.cmpi ne, %convert_element_type3A, %cond3A : i32
      scf.if %cond3A_24 {
        %add3A_75 = arith.constant 1 : i32
        %add3A_76 = arith.addi %add3A_20, %add3A_75 : i32
        %mul3A_77 = arith.constant 640 : i32
        %mul3A_78 = arith.muli %add3A, %mul3A_77 : i32
        %mul3A_79 = arith.constant 8 : i32
        %mul3A_80 = arith.muli %add3A_76, %mul3A_79 : i32
        %add3A_81 = arith.addi %mul3A_78, %mul3A_80 : i32
        %mul3A_82 = arith.constant 100 : i32
        %mul3A_83 = arith.muli %add3A_81, %mul3A_82 : i32
        "tpu.region"() ({
          %run_scoped3A = tpu.sem_alloc : memref<!tpu.dma_semaphore, #tpu.memory_space<semaphore_mem>>
          %dma_start3A_87 = arith.constant 0 : i32
          %dma_start3A_88 = tpu.memref_slice %arg8[%dma_start3A_87] : memref<808xi32, #tpu.memory_space<vmem>> -> memref<800xi32, #tpu.memory_space<vmem>>
          %dma_start3A_89 = tpu.memref_slice %arg2[%mul3A_83] : memref<2048000xi32, #tpu.memory_space<hbm>> -> memref<800xi32, #tpu.memory_space<hbm>>
          %dma_start3A_90 = arith.constant 0 : i32
          %dma_start3A_91 = tpu.memref_slice %arg8[%dma_start3A_90] : memref<808xi32, #tpu.memory_space<vmem>> -> memref<800xi32, #tpu.memory_space<vmem>>
          %dma_start3A_92 = tpu.memref_slice %arg2[%mul3A_83] : memref<2048000xi32, #tpu.memory_space<hbm>> -> memref<800xi32, #tpu.memory_space<hbm>>
          tpu.enqueue_dma source(%dma_start3A_92 : memref<800xi32, #tpu.memory_space<hbm>>) target(%dma_start3A_91 : memref<800xi32, #tpu.memory_space<vmem>>) target_semaphore(%run_scoped3A : memref<!tpu.dma_semaphore, #tpu.memory_space<semaphore_mem>>)
          %dma_wait3A_93 = arith.constant 0 : i32
          %dma_wait3A_94 = tpu.memref_slice %arg8[%dma_wait3A_93] : memref<808xi32, #tpu.memory_space<vmem>> -> memref<800xi32, #tpu.memory_space<vmem>>
          %dma_wait3A_95 = tpu.memref_slice %arg2[%mul3A_83] : memref<2048000xi32, #tpu.memory_space<hbm>> -> memref<800xi32, #tpu.memory_space<hbm>>
          %dma_wait3A_96 = arith.constant 0 : i32
          %dma_wait3A_97 = tpu.memref_slice %arg8[%dma_wait3A_96] : memref<808xi32, #tpu.memory_space<vmem>> -> memref<800xi32, #tpu.memory_space<vmem>>
          %dma_wait3A_98 = tpu.memref_slice %arg2[%mul3A_83] : memref<2048000xi32, #tpu.memory_space<hbm>> -> memref<800xi32, #tpu.memory_space<hbm>>
          tpu.wait_dma2 semaphore(%run_scoped3A : memref<!tpu.dma_semaphore, #tpu.memory_space<semaphore_mem>>) src(%dma_wait3A_98 : memref<800xi32, #tpu.memory_space<hbm>>) dst(%dma_wait3A_97 : memref<800xi32, #tpu.memory_space<vmem>>)
          tpu.yield
        }) : () -> ()
        "tpu.region"() ({
          %run_scoped3A = tpu.sem_alloc : memref<!tpu.dma_semaphore, #tpu.memory_space<semaphore_mem>>
          %dma_start3A_87 = arith.constant 800 : i32
          %dma_start3A_88 = tpu.memref_slice %arg8[%dma_start3A_87] : memref<808xi32, #tpu.memory_space<vmem>> -> memref<8xi32, #tpu.memory_space<vmem>>
          %dma_start3A_89 = tpu.memref_slice %arg3[%add3A_81] : memref<20480xi32, #tpu.memory_space<hbm>> -> memref<8xi32, #tpu.memory_space<hbm>>
          %dma_start3A_90 = arith.constant 800 : i32
          %dma_start3A_91 = tpu.memref_slice %arg8[%dma_start3A_90] : memref<808xi32, #tpu.memory_space<vmem>> -> memref<8xi32, #tpu.memory_space<vmem>>
          %dma_start3A_92 = tpu.memref_slice %arg3[%add3A_81] : memref<20480xi32, #tpu.memory_space<hbm>> -> memref<8xi32, #tpu.memory_space<hbm>>
          tpu.enqueue_dma source(%dma_start3A_92 : memref<8xi32, #tpu.memory_space<hbm>>) target(%dma_start3A_91 : memref<8xi32, #tpu.memory_space<vmem>>) target_semaphore(%run_scoped3A : memref<!tpu.dma_semaphore, #tpu.memory_space<semaphore_mem>>)
          %dma_wait3A_93 = arith.constant 800 : i32
          %dma_wait3A_94 = tpu.memref_slice %arg8[%dma_wait3A_93] : memref<808xi32, #tpu.memory_space<vmem>> -> memref<8xi32, #tpu.memory_space<vmem>>
          %dma_wait3A_95 = tpu.memref_slice %arg3[%add3A_81] : memref<20480xi32, #tpu.memory_space<hbm>> -> memref<8xi32, #tpu.memory_space<hbm>>
          %dma_wait3A_96 = arith.constant 800 : i32
          %dma_wait3A_97 = tpu.memref_slice %arg8[%dma_wait3A_96] : memref<808xi32, #tpu.memory_space<vmem>> -> memref<8xi32, #tpu.memory_space<vmem>>
          %dma_wait3A_98 = tpu.memref_slice %arg3[%add3A_81] : memref<20480xi32, #tpu.memory_space<hbm>> -> memref<8xi32, #tpu.memory_space<hbm>>
          tpu.wait_dma2 semaphore(%run_scoped3A : memref<!tpu.dma_semaphore, #tpu.memory_space<semaphore_mem>>) src(%dma_wait3A_98 : memref<8xi32, #tpu.memory_space<hbm>>) dst(%dma_wait3A_97 : memref<8xi32, #tpu.memory_space<vmem>>)
          tpu.yield
        }) : () -> ()
        "tpu.region"() ({
          %run_scoped3A = tpu.sem_alloc : memref<!tpu.dma_semaphore, #tpu.memory_space<semaphore_mem>>
          %dma_start3A_87 = arith.constant 0 : i32
          %dma_start3A_88 = tpu.memref_slice %arg4[%add3A_81, %dma_start3A_87] : memref<20480x64xf32, #tpu.memory_space<hbm>> -> memref<8x64xf32, #tpu.memory_space<hbm>>
          %dma_start3A_89 = arith.constant 0 : i32
          %dma_start3A_90 = tpu.memref_slice %arg4[%add3A_81, %dma_start3A_89] : memref<20480x64xf32, #tpu.memory_space<hbm>> -> memref<8x64xf32, #tpu.memory_space<hbm>>
          tpu.enqueue_dma source(%dma_start3A_90 : memref<8x64xf32, #tpu.memory_space<hbm>>) target(%arg12 : memref<8x64xf32, #tpu.memory_space<vmem>>) target_semaphore(%run_scoped3A : memref<!tpu.dma_semaphore, #tpu.memory_space<semaphore_mem>>)
          %dma_wait3A_91 = arith.constant 0 : i32
          %dma_wait3A_92 = tpu.memref_slice %arg4[%add3A_81, %dma_wait3A_91] : memref<20480x64xf32, #tpu.memory_space<hbm>> -> memref<8x64xf32, #tpu.memory_space<hbm>>
          %dma_wait3A_93 = arith.constant 0 : i32
          %dma_wait3A_94 = tpu.memref_slice %arg4[%add3A_81, %dma_wait3A_93] : memref<20480x64xf32, #tpu.memory_space<hbm>> -> memref<8x64xf32, #tpu.memory_space<hbm>>
          tpu.wait_dma2 semaphore(%run_scoped3A : memref<!tpu.dma_semaphore, #tpu.memory_space<semaphore_mem>>) src(%dma_wait3A_94 : memref<8x64xf32, #tpu.memory_space<hbm>>) dst(%arg12 : memref<8x64xf32, #tpu.memory_space<vmem>>)
          tpu.yield
        }) : () -> ()
        %dma_start3A_84 = arith.constant 0 : i32
        %dma_start3A_85 = arith.constant 0 : i32
        %dma_start3A_86 = tpu.memref_slice %arg5[%dma_start3A_84, %dma_start3A_85] : memref<1000000x64xf32, #tpu.memory_space<hbm>> -> memref<1000000x64xf32, #tpu.memory_space<hbm>>
        tpu.enqueue_indirect_dma source(%dma_start3A_86 : memref<1000000x64xf32, #tpu.memory_space<hbm>>) target(%arg10 : memref<808x64xf32, #tpu.memory_space<vmem>>) offsets(%arg8 : memref<808xi32, #tpu.memory_space<vmem>>) semaphore(%arg16 : memref<!tpu.dma_semaphore, #tpu.memory_space<semaphore_mem>>)
      } else {
      }
      %mul3A_25 = arith.constant 640 : i32
      %mul3A_26 = arith.muli %add3A, %mul3A_25 : i32
      %mul3A_27 = arith.constant 8 : i32
      %mul3A_28 = arith.muli %add3A_20, %mul3A_27 : i32
      %add3A_29 = arith.addi %mul3A_26, %mul3A_28 : i32
      %dma_wait3A = arith.constant 0 : i32
      %dma_wait3A_30 = arith.constant 0 : i32
      %dma_wait3A_31 = tpu.memref_slice %arg5[%dma_wait3A, %dma_wait3A_30] : memref<1000000x64xf32, #tpu.memory_space<hbm>> -> memref<1000000x64xf32, #tpu.memory_space<hbm>>
      tpu.wait_indirect_dma semaphore(%arg15 : memref<!tpu.dma_semaphore, #tpu.memory_space<semaphore_mem>>) src(%dma_wait3A_31 : memref<1000000x64xf32, #tpu.memory_space<hbm>>) dst(%arg9 : memref<808x64xf32, #tpu.memory_space<vmem>>)
      %eq3A = arith.constant 15 : i32
      %eq3A_32 = vector.broadcast %eq3A : i32 to vector<16xi32>
      %eq3A_33 = arith.cmpi eq, %iota3A, %eq3A_32 : vector<16xi32>
      %scan3A_34 = arith.constant 0 : i32
      %scan3A_35 = arith.constant 0 : i32
      %scan3A_36 = arith.constant 8 : i32
      %scan3A_37 = arith.addi %scan3A_35, %scan3A_36 : i32
      %scan3A_38 = arith.constant 1 : i32
      %scan3A_39 = scf.for %scan3A_75 = %scan3A_35 to %scan3A_37 step %scan3A_38 iter_args(%scan3A_76 = %scan3A_34) -> (i32)  : i32 {
        %get3A = arith.index_cast %scan3A_75 : i32 to index
        %get3A_77 = arith.constant 0 : index
        %get3A_78 = tpu.vector_load %arg11[%get3A, %get3A_77] {strides = array<i32>} : memref<8x64xf32, #tpu.memory_space<vmem>>, vector<16xf32>,
        %get3A_79 = arith.index_cast %scan3A_75 : i32 to index
        %get3A_80 = arith.constant 16 : index
        %get3A_81 = tpu.vector_load %arg11[%get3A_79, %get3A_80] {strides = array<i32>} : memref<8x64xf32, #tpu.memory_space<vmem>>, vector<16xf32>,
        %get3A_82 = arith.index_cast %scan3A_75 : i32 to index
        %get3A_83 = arith.constant 32 : index
        %get3A_84 = tpu.vector_load %arg11[%get3A_82, %get3A_83] {strides = array<i32>} : memref<8x64xf32, #tpu.memory_space<vmem>>, vector<16xf32>,
        %get3A_85 = arith.index_cast %scan3A_75 : i32 to index
        %get3A_86 = arith.constant 48 : index
        %get3A_87 = tpu.vector_load %arg11[%get3A_85, %get3A_86] {strides = array<i32>} : memref<8x64xf32, #tpu.memory_space<vmem>>, vector<16xf32>,
        %parallel_loop3A = arith.constant 0 : i32
        %parallel_loop3A_88 = arith.constant 100 : i32
        %parallel_loop3A_89 = arith.constant 1 : i32
        scf.for %parallel_loop3A_118 = %parallel_loop3A to %parallel_loop3A_88 step %parallel_loop3A_89  : i32 {
          %parallel_loop3A_119 = arith.constant 100 : i32
          %parallel_loop3A_120 = arith.muli %scan3A_75, %parallel_loop3A_119 : i32
          %parallel_loop3A_121 = arith.addi %parallel_loop3A_120, %parallel_loop3A_118 : i32
          %parallel_loop3A_122 = arith.constant 112 : i32
          %parallel_loop3A_123 = arith.muli %scan3A_75, %parallel_loop3A_122 : i32
          %parallel_loop3A_124 = arith.addi %parallel_loop3A_123, %parallel_loop3A_118 : i32
          %parallel_loop3A_125 = arith.index_cast %parallel_loop3A_121 : i32 to index
          %parallel_loop3A_126 = arith.constant 0 : index
          %parallel_loop3A_127 = tpu.vector_load %arg9[%parallel_loop3A_125, %parallel_loop3A_126] {strides = array<i32>} : memref<808x64xf32, #tpu.memory_space<vmem>>, vector<16xf32>,
          %parallel_loop3A_128 = arith.mulf %parallel_loop3A_127, %get3A_78 : vector<16xf32>
          %parallel_loop3A_129 = arith.index_cast %parallel_loop3A_121 : i32 to index
          %parallel_loop3A_130 = arith.constant 16 : index
          %parallel_loop3A_131 = tpu.vector_load %arg9[%parallel_loop3A_129, %parallel_loop3A_130] {strides = array<i32>} : memref<808x64xf32, #tpu.memory_space<vmem>>, vector<16xf32>,
          %parallel_loop3A_132 = arith.mulf %parallel_loop3A_131, %get3A_81 : vector<16xf32>
          %parallel_loop3A_133 = arith.addf %parallel_loop3A_128, %parallel_loop3A_132 : vector<16xf32>
          %parallel_loop3A_134 = arith.index_cast %parallel_loop3A_121 : i32 to index
          %parallel_loop3A_135 = arith.constant 32 : index
          %parallel_loop3A_136 = tpu.vector_load %arg9[%parallel_loop3A_134, %parallel_loop3A_135] {strides = array<i32>} : memref<808x64xf32, #tpu.memory_space<vmem>>, vector<16xf32>,
          %parallel_loop3A_137 = arith.mulf %parallel_loop3A_136, %get3A_84 : vector<16xf32>
          %parallel_loop3A_138 = arith.index_cast %parallel_loop3A_121 : i32 to index
          %parallel_loop3A_139 = arith.constant 48 : index
          %parallel_loop3A_140 = tpu.vector_load %arg9[%parallel_loop3A_138, %parallel_loop3A_139] {strides = array<i32>} : memref<808x64xf32, #tpu.memory_space<vmem>>, vector<16xf32>,
          %parallel_loop3A_141 = arith.mulf %parallel_loop3A_140, %get3A_87 : vector<16xf32>
          %parallel_loop3A_142 = arith.addf %parallel_loop3A_137, %parallel_loop3A_141 : vector<16xf32>
          %parallel_loop3A_143 = arith.addf %parallel_loop3A_133, %parallel_loop3A_142 : vector<16xf32>
          %parallel_loop3A_144 = arith.constant true
          %parallel_loop3A_145 = vector.broadcast %parallel_loop3A_144 : i1 to vector<16xi1>
          %parallel_loop3A_146 = tpu.scan <sum>, %parallel_loop3A_143 masked %parallel_loop3A_145 : vector<16xf32>, vector<16xi1> -> vector<16xf32>
          %parallel_loop3A_147 = vector.broadcast %parallel_loop3A_124 : i32 to vector<16xi32>
          tpu.vector_store_idx %arg13[%parallel_loop3A_147], %parallel_loop3A_146 masked %eq3A_33 : memref<896xf32, #tpu.memory_space<vmem>>[vector<16xi32>], vector<16xf32>, vector<16xi1>
        } {sc.loop_unroll_factor = 4 : i64, sc.parallel_access}
        %add3A_90 = arith.constant 800 : i32
        %add3A_91 = arith.addi %add3A_90, %scan3A_75 : i32
        %mul3A_92 = arith.constant 112 : i32
        %mul3A_93 = arith.muli %scan3A_75, %mul3A_92 : i32
        %add3A_94 = arith.constant 100 : i32
        %add3A_95 = arith.addi %mul3A_93, %add3A_94 : i32
        %get3A_96 = arith.index_cast %add3A_91 : i32 to index
        %get3A_97 = arith.constant 0 : index
        %get3A_98 = tpu.vector_load %arg9[%get3A_96, %get3A_97] {strides = array<i32>} : memref<808x64xf32, #tpu.memory_space<vmem>>, vector<16xf32>,
        %mul3A_99 = arith.mulf %get3A_98, %get3A_78 : vector<16xf32>
        %get3A_100 = arith.index_cast %add3A_91 : i32 to index
        %get3A_101 = arith.constant 16 : index
        %get3A_102 = tpu.vector_load %arg9[%get3A_100, %get3A_101] {strides = array<i32>} : memref<808x64xf32, #tpu.memory_space<vmem>>, vector<16xf32>,
        %mul3A_103 = arith.mulf %get3A_102, %get3A_81 : vector<16xf32>
        %add3A_104 = arith.addf %mul3A_99, %mul3A_103 : vector<16xf32>
        %get3A_105 = arith.index_cast %add3A_91 : i32 to index
        %get3A_106 = arith.constant 32 : index
        %get3A_107 = tpu.vector_load %arg9[%get3A_105, %get3A_106] {strides = array<i32>} : memref<808x64xf32, #tpu.memory_space<vmem>>, vector<16xf32>,
        %mul3A_108 = arith.mulf %get3A_107, %get3A_84 : vector<16xf32>
        %get3A_109 = arith.index_cast %add3A_91 : i32 to index
        %get3A_110 = arith.constant 48 : index
        %get3A_111 = tpu.vector_load %arg9[%get3A_109, %get3A_110] {strides = array<i32>} : memref<808x64xf32, #tpu.memory_space<vmem>>, vector<16xf32>,
        %mul3A_112 = arith.mulf %get3A_111, %get3A_87 : vector<16xf32>
        %add3A_113 = arith.addf %mul3A_108, %mul3A_112 : vector<16xf32>
        %add3A_114 = arith.addf %add3A_104, %add3A_113 : vector<16xf32>
        %broadcast_in_dim3A = arith.constant true
        %broadcast_in_dim3A_115 = vector.broadcast %broadcast_in_dim3A : i1 to vector<16xi1>
        %masked_cumsum3A = tpu.scan <sum>, %add3A_114 masked %broadcast_in_dim3A_115 : vector<16xf32>, vector<16xi1> -> vector<16xf32>
        %broadcast_in_dim3A_116 = vector.broadcast %add3A_95 : i32 to vector<16xi32>
        tpu.vector_store_idx %arg13[%broadcast_in_dim3A_116], %masked_cumsum3A masked %eq3A_33 : memref<896xf32, #tpu.memory_space<vmem>>[vector<16xi32>], vector<16xf32>, vector<16xi1>
        %scan3A_117 = arith.constant 0 : i32
        scf.yield %scan3A_117 : i32
      }
      %scan3A_40 = arith.constant 8 : i32
      %mul3A_41 = arith.constant 112 : i32
      %mul3A_42 = arith.muli %add3A_29, %mul3A_41 : i32
      "tpu.region"() ({
        %run_scoped3A = tpu.sem_alloc : memref<!tpu.dma_semaphore, #tpu.memory_space<semaphore_mem>>
        %dma_start3A_75 = tpu.memref_slice %arg6[%mul3A_42] : memref<2293760xf32, #tpu.memory_space<hbm>> -> memref<896xf32, #tpu.memory_space<hbm>>
        %dma_start3A_76 = tpu.memref_slice %arg6[%mul3A_42] : memref<2293760xf32, #tpu.memory_space<hbm>> -> memref<896xf32, #tpu.memory_space<hbm>>
        tpu.enqueue_dma source(%arg13 : memref<896xf32, #tpu.memory_space<vmem>>) target(%dma_start3A_76 : memref<896xf32, #tpu.memory_space<hbm>>) target_semaphore(%run_scoped3A : memref<!tpu.dma_semaphore, #tpu.memory_space<semaphore_mem>>)
        %dma_wait3A_77 = tpu.memref_slice %arg6[%mul3A_42] : memref<2293760xf32, #tpu.memory_space<hbm>> -> memref<896xf32, #tpu.memory_space<hbm>>
        %dma_wait3A_78 = tpu.memref_slice %arg6[%mul3A_42] : memref<2293760xf32, #tpu.memory_space<hbm>> -> memref<896xf32, #tpu.memory_space<hbm>>
        tpu.wait_dma2 semaphore(%run_scoped3A : memref<!tpu.dma_semaphore, #tpu.memory_space<semaphore_mem>>) src(%arg13 : memref<896xf32, #tpu.memory_space<vmem>>) dst(%dma_wait3A_78 : memref<896xf32, #tpu.memory_space<hbm>>)
        tpu.yield
      }) : () -> ()
      %mul3A_43 = arith.constant 2 : i32
      %mul3A_44 = arith.muli %scan3A_15, %mul3A_43 : i32
      %add3A_45 = arith.constant 1 : i32
      %add3A_46 = arith.addi %mul3A_44, %add3A_45 : i32
      %add3A_47 = arith.constant 1 : i32
      %add3A_48 = arith.addi %add3A_46, %add3A_47 : i32
      %lt3A_49 = arith.constant 80 : i32
      %lt3A_50 = arith.cmpi slt, %add3A_48, %lt3A_49 : i32
      %convert_element_type3A_51 = arith.extui %lt3A_50 : i1 to i32
      %cond3A_52 = arith.constant 0 : i32
      %cond3A_53 = arith.cmpi ne, %convert_element_type3A_51, %cond3A_52 : i32
      scf.if %cond3A_53 {
        %add3A_75 = arith.constant 1 : i32
        %add3A_76 = arith.addi %add3A_46, %add3A_75 : i32
        %mul3A_77 = arith.constant 640 : i32
        %mul3A_78 = arith.muli %add3A, %mul3A_77 : i32
        %mul3A_79 = arith.constant 8 : i32
        %mul3A_80 = arith.muli %add3A_76, %mul3A_79 : i32
        %add3A_81 = arith.addi %mul3A_78, %mul3A_80 : i32
        %mul3A_82 = arith.constant 100 : i32
        %mul3A_83 = arith.muli %add3A_81, %mul3A_82 : i32
        "tpu.region"() ({
          %run_scoped3A = tpu.sem_alloc : memref<!tpu.dma_semaphore, #tpu.memory_space<semaphore_mem>>
          %dma_start3A_87 = arith.constant 0 : i32
          %dma_start3A_88 = tpu.memref_slice %arg7[%dma_start3A_87] : memref<808xi32, #tpu.memory_space<vmem>> -> memref<800xi32, #tpu.memory_space<vmem>>
          %dma_start3A_89 = tpu.memref_slice %arg2[%mul3A_83] : memref<2048000xi32, #tpu.memory_space<hbm>> -> memref<800xi32, #tpu.memory_space<hbm>>
          %dma_start3A_90 = arith.constant 0 : i32
          %dma_start3A_91 = tpu.memref_slice %arg7[%dma_start3A_90] : memref<808xi32, #tpu.memory_space<vmem>> -> memref<800xi32, #tpu.memory_space<vmem>>
          %dma_start3A_92 = tpu.memref_slice %arg2[%mul3A_83] : memref<2048000xi32, #tpu.memory_space<hbm>> -> memref<800xi32, #tpu.memory_space<hbm>>
          tpu.enqueue_dma source(%dma_start3A_92 : memref<800xi32, #tpu.memory_space<hbm>>) target(%dma_start3A_91 : memref<800xi32, #tpu.memory_space<vmem>>) target_semaphore(%run_scoped3A : memref<!tpu.dma_semaphore, #tpu.memory_space<semaphore_mem>>)
          %dma_wait3A_93 = arith.constant 0 : i32
          %dma_wait3A_94 = tpu.memref_slice %arg7[%dma_wait3A_93] : memref<808xi32, #tpu.memory_space<vmem>> -> memref<800xi32, #tpu.memory_space<vmem>>
          %dma_wait3A_95 = tpu.memref_slice %arg2[%mul3A_83] : memref<2048000xi32, #tpu.memory_space<hbm>> -> memref<800xi32, #tpu.memory_space<hbm>>
          %dma_wait3A_96 = arith.constant 0 : i32
          %dma_wait3A_97 = tpu.memref_slice %arg7[%dma_wait3A_96] : memref<808xi32, #tpu.memory_space<vmem>> -> memref<800xi32, #tpu.memory_space<vmem>>
          %dma_wait3A_98 = tpu.memref_slice %arg2[%mul3A_83] : memref<2048000xi32, #tpu.memory_space<hbm>> -> memref<800xi32, #tpu.memory_space<hbm>>
          tpu.wait_dma2 semaphore(%run_scoped3A : memref<!tpu.dma_semaphore, #tpu.memory_space<semaphore_mem>>) src(%dma_wait3A_98 : memref<800xi32, #tpu.memory_space<hbm>>) dst(%dma_wait3A_97 : memref<800xi32, #tpu.memory_space<vmem>>)
          tpu.yield
        }) : () -> ()
        "tpu.region"() ({
          %run_scoped3A = tpu.sem_alloc : memref<!tpu.dma_semaphore, #tpu.memory_space<semaphore_mem>>
          %dma_start3A_87 = arith.constant 800 : i32
          %dma_start3A_88 = tpu.memref_slice %arg7[%dma_start3A_87] : memref<808xi32, #tpu.memory_space<vmem>> -> memref<8xi32, #tpu.memory_space<vmem>>
          %dma_start3A_89 = tpu.memref_slice %arg3[%add3A_81] : memref<20480xi32, #tpu.memory_space<hbm>> -> memref<8xi32, #tpu.memory_space<hbm>>
          %dma_start3A_90 = arith.constant 800 : i32
          %dma_start3A_91 = tpu.memref_slice %arg7[%dma_start3A_90] : memref<808xi32, #tpu.memory_space<vmem>> -> memref<8xi32, #tpu.memory_space<vmem>>
          %dma_start3A_92 = tpu.memref_slice %arg3[%add3A_81] : memref<20480xi32, #tpu.memory_space<hbm>> -> memref<8xi32, #tpu.memory_space<hbm>>
          tpu.enqueue_dma source(%dma_start3A_92 : memref<8xi32, #tpu.memory_space<hbm>>) target(%dma_start3A_91 : memref<8xi32, #tpu.memory_space<vmem>>) target_semaphore(%run_scoped3A : memref<!tpu.dma_semaphore, #tpu.memory_space<semaphore_mem>>)
          %dma_wait3A_93 = arith.constant 800 : i32
          %dma_wait3A_94 = tpu.memref_slice %arg7[%dma_wait3A_93] : memref<808xi32, #tpu.memory_space<vmem>> -> memref<8xi32, #tpu.memory_space<vmem>>
          %dma_wait3A_95 = tpu.memref_slice %arg3[%add3A_81] : memref<20480xi32, #tpu.memory_space<hbm>> -> memref<8xi32, #tpu.memory_space<hbm>>
          %dma_wait3A_96 = arith.constant 800 : i32
          %dma_wait3A_97 = tpu.memref_slice %arg7[%dma_wait3A_96] : memref<808xi32, #tpu.memory_space<vmem>> -> memref<8xi32, #tpu.memory_space<vmem>>
          %dma_wait3A_98 = tpu.memref_slice %arg3[%add3A_81] : memref<20480xi32, #tpu.memory_space<hbm>> -> memref<8xi32, #tpu.memory_space<hbm>>
          tpu.wait_dma2 semaphore(%run_scoped3A : memref<!tpu.dma_semaphore, #tpu.memory_space<semaphore_mem>>) src(%dma_wait3A_98 : memref<8xi32, #tpu.memory_space<hbm>>) dst(%dma_wait3A_97 : memref<8xi32, #tpu.memory_space<vmem>>)
          tpu.yield
        }) : () -> ()
        "tpu.region"() ({
          %run_scoped3A = tpu.sem_alloc : memref<!tpu.dma_semaphore, #tpu.memory_space<semaphore_mem>>
          %dma_start3A_87 = arith.constant 0 : i32
          %dma_start3A_88 = tpu.memref_slice %arg4[%add3A_81, %dma_start3A_87] : memref<20480x64xf32, #tpu.memory_space<hbm>> -> memref<8x64xf32, #tpu.memory_space<hbm>>
          %dma_start3A_89 = arith.constant 0 : i32
          %dma_start3A_90 = tpu.memref_slice %arg4[%add3A_81, %dma_start3A_89] : memref<20480x64xf32, #tpu.memory_space<hbm>> -> memref<8x64xf32, #tpu.memory_space<hbm>>
          tpu.enqueue_dma source(%dma_start3A_90 : memref<8x64xf32, #tpu.memory_space<hbm>>) target(%arg11 : memref<8x64xf32, #tpu.memory_space<vmem>>) target_semaphore(%run_scoped3A : memref<!tpu.dma_semaphore, #tpu.memory_space<semaphore_mem>>)
          %dma_wait3A_91 = arith.constant 0 : i32
          %dma_wait3A_92 = tpu.memref_slice %arg4[%add3A_81, %dma_wait3A_91] : memref<20480x64xf32, #tpu.memory_space<hbm>> -> memref<8x64xf32, #tpu.memory_space<hbm>>
          %dma_wait3A_93 = arith.constant 0 : i32
          %dma_wait3A_94 = tpu.memref_slice %arg4[%add3A_81, %dma_wait3A_93] : memref<20480x64xf32, #tpu.memory_space<hbm>> -> memref<8x64xf32, #tpu.memory_space<hbm>>
          tpu.wait_dma2 semaphore(%run_scoped3A : memref<!tpu.dma_semaphore, #tpu.memory_space<semaphore_mem>>) src(%dma_wait3A_94 : memref<8x64xf32, #tpu.memory_space<hbm>>) dst(%arg11 : memref<8x64xf32, #tpu.memory_space<vmem>>)
          tpu.yield
        }) : () -> ()
        %dma_start3A_84 = arith.constant 0 : i32
        %dma_start3A_85 = arith.constant 0 : i32
        %dma_start3A_86 = tpu.memref_slice %arg5[%dma_start3A_84, %dma_start3A_85] : memref<1000000x64xf32, #tpu.memory_space<hbm>> -> memref<1000000x64xf32, #tpu.memory_space<hbm>>
        tpu.enqueue_indirect_dma source(%dma_start3A_86 : memref<1000000x64xf32, #tpu.memory_space<hbm>>) target(%arg9 : memref<808x64xf32, #tpu.memory_space<vmem>>) offsets(%arg7 : memref<808xi32, #tpu.memory_space<vmem>>) semaphore(%arg15 : memref<!tpu.dma_semaphore, #tpu.memory_space<semaphore_mem>>)
      } else {
      }
      %mul3A_54 = arith.constant 640 : i32
      %mul3A_55 = arith.muli %add3A, %mul3A_54 : i32
      %mul3A_56 = arith.constant 8 : i32
      %mul3A_57 = arith.muli %add3A_46, %mul3A_56 : i32
      %add3A_58 = arith.addi %mul3A_55, %mul3A_57 : i32
      %dma_wait3A_59 = arith.constant 0 : i32
      %dma_wait3A_60 = arith.constant 0 : i32
      %dma_wait3A_61 = tpu.memref_slice %arg5[%dma_wait3A_59, %dma_wait3A_60] : memref<1000000x64xf32, #tpu.memory_space<hbm>> -> memref<1000000x64xf32, #tpu.memory_space<hbm>>
      tpu.wait_indirect_dma semaphore(%arg16 : memref<!tpu.dma_semaphore, #tpu.memory_space<semaphore_mem>>) src(%dma_wait3A_61 : memref<1000000x64xf32, #tpu.memory_space<hbm>>) dst(%arg10 : memref<808x64xf32, #tpu.memory_space<vmem>>)
      %eq3A_62 = arith.constant 15 : i32
      %eq3A_63 = vector.broadcast %eq3A_62 : i32 to vector<16xi32>
      %eq3A_64 = arith.cmpi eq, %iota3A, %eq3A_63 : vector<16xi32>
      %scan3A_65 = arith.constant 0 : i32
      %scan3A_66 = arith.constant 0 : i32
      %scan3A_67 = arith.constant 8 : i32
      %scan3A_68 = arith.addi %scan3A_66, %scan3A_67 : i32
      %scan3A_69 = arith.constant 1 : i32
      %scan3A_70 = scf.for %scan3A_75 = %scan3A_66 to %scan3A_68 step %scan3A_69 iter_args(%scan3A_76 = %scan3A_65) -> (i32)  : i32 {
        %get3A = arith.index_cast %scan3A_75 : i32 to index
        %get3A_77 = arith.constant 0 : index
        %get3A_78 = tpu.vector_load %arg12[%get3A, %get3A_77] {strides = array<i32>} : memref<8x64xf32, #tpu.memory_space<vmem>>, vector<16xf32>,
        %get3A_79 = arith.index_cast %scan3A_75 : i32 to index
        %get3A_80 = arith.constant 16 : index
        %get3A_81 = tpu.vector_load %arg12[%get3A_79, %get3A_80] {strides = array<i32>} : memref<8x64xf32, #tpu.memory_space<vmem>>, vector<16xf32>,
        %get3A_82 = arith.index_cast %scan3A_75 : i32 to index
        %get3A_83 = arith.constant 32 : index
        %get3A_84 = tpu.vector_load %arg12[%get3A_82, %get3A_83] {strides = array<i32>} : memref<8x64xf32, #tpu.memory_space<vmem>>, vector<16xf32>,
        %get3A_85 = arith.index_cast %scan3A_75 : i32 to index
        %get3A_86 = arith.constant 48 : index
        %get3A_87 = tpu.vector_load %arg12[%get3A_85, %get3A_86] {strides = array<i32>} : memref<8x64xf32, #tpu.memory_space<vmem>>, vector<16xf32>,
        %parallel_loop3A = arith.constant 0 : i32
        %parallel_loop3A_88 = arith.constant 100 : i32
        %parallel_loop3A_89 = arith.constant 1 : i32
        scf.for %parallel_loop3A_118 = %parallel_loop3A to %parallel_loop3A_88 step %parallel_loop3A_89  : i32 {
          %parallel_loop3A_119 = arith.constant 100 : i32
          %parallel_loop3A_120 = arith.muli %scan3A_75, %parallel_loop3A_119 : i32
          %parallel_loop3A_121 = arith.addi %parallel_loop3A_120, %parallel_loop3A_118 : i32
          %parallel_loop3A_122 = arith.constant 112 : i32
          %parallel_loop3A_123 = arith.muli %scan3A_75, %parallel_loop3A_122 : i32
          %parallel_loop3A_124 = arith.addi %parallel_loop3A_123, %parallel_loop3A_118 : i32
          %parallel_loop3A_125 = arith.index_cast %parallel_loop3A_121 : i32 to index
          %parallel_loop3A_126 = arith.constant 0 : index
          %parallel_loop3A_127 = tpu.vector_load %arg10[%parallel_loop3A_125, %parallel_loop3A_126] {strides = array<i32>} : memref<808x64xf32, #tpu.memory_space<vmem>>, vector<16xf32>,
          %parallel_loop3A_128 = arith.mulf %parallel_loop3A_127, %get3A_78 : vector<16xf32>
          %parallel_loop3A_129 = arith.index_cast %parallel_loop3A_121 : i32 to index
          %parallel_loop3A_130 = arith.constant 16 : index
          %parallel_loop3A_131 = tpu.vector_load %arg10[%parallel_loop3A_129, %parallel_loop3A_130] {strides = array<i32>} : memref<808x64xf32, #tpu.memory_space<vmem>>, vector<16xf32>,
          %parallel_loop3A_132 = arith.mulf %parallel_loop3A_131, %get3A_81 : vector<16xf32>
          %parallel_loop3A_133 = arith.addf %parallel_loop3A_128, %parallel_loop3A_132 : vector<16xf32>
          %parallel_loop3A_134 = arith.index_cast %parallel_loop3A_121 : i32 to index
          %parallel_loop3A_135 = arith.constant 32 : index
          %parallel_loop3A_136 = tpu.vector_load %arg10[%parallel_loop3A_134, %parallel_loop3A_135] {strides = array<i32>} : memref<808x64xf32, #tpu.memory_space<vmem>>, vector<16xf32>,
          %parallel_loop3A_137 = arith.mulf %parallel_loop3A_136, %get3A_84 : vector<16xf32>
          %parallel_loop3A_138 = arith.index_cast %parallel_loop3A_121 : i32 to index
          %parallel_loop3A_139 = arith.constant 48 : index
          %parallel_loop3A_140 = tpu.vector_load %arg10[%parallel_loop3A_138, %parallel_loop3A_139] {strides = array<i32>} : memref<808x64xf32, #tpu.memory_space<vmem>>, vector<16xf32>,
          %parallel_loop3A_141 = arith.mulf %parallel_loop3A_140, %get3A_87 : vector<16xf32>
          %parallel_loop3A_142 = arith.addf %parallel_loop3A_137, %parallel_loop3A_141 : vector<16xf32>
          %parallel_loop3A_143 = arith.addf %parallel_loop3A_133, %parallel_loop3A_142 : vector<16xf32>
          %parallel_loop3A_144 = arith.constant true
          %parallel_loop3A_145 = vector.broadcast %parallel_loop3A_144 : i1 to vector<16xi1>
          %parallel_loop3A_146 = tpu.scan <sum>, %parallel_loop3A_143 masked %parallel_loop3A_145 : vector<16xf32>, vector<16xi1> -> vector<16xf32>
          %parallel_loop3A_147 = vector.broadcast %parallel_loop3A_124 : i32 to vector<16xi32>
          tpu.vector_store_idx %arg14[%parallel_loop3A_147], %parallel_loop3A_146 masked %eq3A_64 : memref<896xf32, #tpu.memory_space<vmem>>[vector<16xi32>], vector<16xf32>, vector<16xi1>
        } {sc.loop_unroll_factor = 4 : i64, sc.parallel_access}
        %add3A_90 = arith.constant 800 : i32
        %add3A_91 = arith.addi %add3A_90, %scan3A_75 : i32
        %mul3A_92 = arith.constant 112 : i32
        %mul3A_93 = arith.muli %scan3A_75, %mul3A_92 : i32
        %add3A_94 = arith.constant 100 : i32
        %add3A_95 = arith.addi %mul3A_93, %add3A_94 : i32
        %get3A_96 = arith.index_cast %add3A_91 : i32 to index
        %get3A_97 = arith.constant 0 : index
        %get3A_98 = tpu.vector_load %arg10[%get3A_96, %get3A_97] {strides = array<i32>} : memref<808x64xf32, #tpu.memory_space<vmem>>, vector<16xf32>,
        %mul3A_99 = arith.mulf %get3A_98, %get3A_78 : vector<16xf32>
        %get3A_100 = arith.index_cast %add3A_91 : i32 to index
        %get3A_101 = arith.constant 16 : index
        %get3A_102 = tpu.vector_load %arg10[%get3A_100, %get3A_101] {strides = array<i32>} : memref<808x64xf32, #tpu.memory_space<vmem>>, vector<16xf32>,
        %mul3A_103 = arith.mulf %get3A_102, %get3A_81 : vector<16xf32>
        %add3A_104 = arith.addf %mul3A_99, %mul3A_103 : vector<16xf32>
        %get3A_105 = arith.index_cast %add3A_91 : i32 to index
        %get3A_106 = arith.constant 32 : index
        %get3A_107 = tpu.vector_load %arg10[%get3A_105, %get3A_106] {strides = array<i32>} : memref<808x64xf32, #tpu.memory_space<vmem>>, vector<16xf32>,
        %mul3A_108 = arith.mulf %get3A_107, %get3A_84 : vector<16xf32>
        %get3A_109 = arith.index_cast %add3A_91 : i32 to index
        %get3A_110 = arith.constant 48 : index
        %get3A_111 = tpu.vector_load %arg10[%get3A_109, %get3A_110] {strides = array<i32>} : memref<808x64xf32, #tpu.memory_space<vmem>>, vector<16xf32>,
        %mul3A_112 = arith.mulf %get3A_111, %get3A_87 : vector<16xf32>
        %add3A_113 = arith.addf %mul3A_108, %mul3A_112 : vector<16xf32>
        %add3A_114 = arith.addf %add3A_104, %add3A_113 : vector<16xf32>
        %broadcast_in_dim3A = arith.constant true
        %broadcast_in_dim3A_115 = vector.broadcast %broadcast_in_dim3A : i1 to vector<16xi1>
        %masked_cumsum3A = tpu.scan <sum>, %add3A_114 masked %broadcast_in_dim3A_115 : vector<16xf32>, vector<16xi1> -> vector<16xf32>
        %broadcast_in_dim3A_116 = vector.broadcast %add3A_95 : i32 to vector<16xi32>
        tpu.vector_store_idx %arg14[%broadcast_in_dim3A_116], %masked_cumsum3A masked %eq3A_64 : memref<896xf32, #tpu.memory_space<vmem>>[vector<16xi32>], vector<16xf32>, vector<16xi1>
        %scan3A_117 = arith.constant 0 : i32
        scf.yield %scan3A_117 : i32
      }
      %scan3A_71 = arith.constant 8 : i32
      %mul3A_72 = arith.constant 112 : i32
      %mul3A_73 = arith.muli %add3A_58, %mul3A_72 : i32
      "tpu.region"() ({
        %run_scoped3A = tpu.sem_alloc : memref<!tpu.dma_semaphore, #tpu.memory_space<semaphore_mem>>
        %dma_start3A_75 = tpu.memref_slice %arg6[%mul3A_73] : memref<2293760xf32, #tpu.memory_space<hbm>> -> memref<896xf32, #tpu.memory_space<hbm>>
        %dma_start3A_76 = tpu.memref_slice %arg6[%mul3A_73] : memref<2293760xf32, #tpu.memory_space<hbm>> -> memref<896xf32, #tpu.memory_space<hbm>>
        tpu.enqueue_dma source(%arg14 : memref<896xf32, #tpu.memory_space<vmem>>) target(%dma_start3A_76 : memref<896xf32, #tpu.memory_space<hbm>>) target_semaphore(%run_scoped3A : memref<!tpu.dma_semaphore, #tpu.memory_space<semaphore_mem>>)
        %dma_wait3A_77 = tpu.memref_slice %arg6[%mul3A_73] : memref<2293760xf32, #tpu.memory_space<hbm>> -> memref<896xf32, #tpu.memory_space<hbm>>
        %dma_wait3A_78 = tpu.memref_slice %arg6[%mul3A_73] : memref<2293760xf32, #tpu.memory_space<hbm>> -> memref<896xf32, #tpu.memory_space<hbm>>
        tpu.wait_dma2 semaphore(%run_scoped3A : memref<!tpu.dma_semaphore, #tpu.memory_space<semaphore_mem>>) src(%arg14 : memref<896xf32, #tpu.memory_space<vmem>>) dst(%dma_wait3A_78 : memref<896xf32, #tpu.memory_space<hbm>>)
        tpu.yield
      }) : () -> ()
      %scan3A_74 = arith.constant 0 : i32
      scf.yield %scan3A_74 : i32
    }
    %scan3A_14 = arith.constant 40 : i32
    return
  }
}

module attributes {stable_mosaic.version = 14 : i64} {
  func.func @_tc_loss_body(%arg0: i32, %arg1: memref<2048x112xf32, #tpu.memory_space<vmem>>, %arg2: memref<2048x1xf32, #tpu.memory_space<vmem>>, %arg3: memref<1x1xf32, #tpu.memory_space<smem>>, %arg4: memref<2xf32, #tpu.memory_space<smem>>) attributes {dimension_semantics = [#tpu.dimension_semantics<arbitrary>], iteration_bounds = array<i64: 10>, scalar_prefetch = 0 : i64, scratch_operands = 1 : i64, tpu.core_type = #tpu.core_type<tc>, window_params = [{transform_indices = @transform_0, window_bounds = array<i64: 2048, 112>}, {transform_indices = @transform_1, window_bounds = array<i64: 2048, 1>}, {transform_indices = @transform_2, window_bounds = array<i64: 1, 1>}]} {
    %eq3A = arith.constant 0 : i32
    %eq3A_0 = arith.cmpi eq, %arg0, %eq3A : i32
    %convert_element_type3A = arith.extui %eq3A_0 : i1 to i32
    %cond3A = arith.constant 0 : i32
    %cond3A_1 = arith.cmpi ne, %convert_element_type3A, %cond3A : i32
    scf.if %cond3A_1 {
      %swap3A_45 = arith.constant 0.000000e+00 : f32
      %swap3A_46 = arith.constant 0 : index
      %swap3A_47 = memref.load %arg4[%swap3A_46] : memref<2xf32, #tpu.memory_space<smem>>
      memref.store %swap3A_45, %arg4[%swap3A_46] : memref<2xf32, #tpu.memory_space<smem>>
      %swap3A_48 = arith.constant 0.000000e+00 : f32
      %swap3A_49 = arith.constant 1 : index
      %swap3A_50 = memref.load %arg4[%swap3A_49] : memref<2xf32, #tpu.memory_space<smem>>
      memref.store %swap3A_48, %arg4[%swap3A_49] : memref<2xf32, #tpu.memory_space<smem>>
    } else {
    }
    %get3A = arith.constant 0 : index
    %get3A_2 = arith.constant 0 : index
    %get3A_3 = vector.load %arg1[%get3A, %get3A_2] : memref<2048x112xf32, #tpu.memory_space<vmem>>, vector<2048x112xf32>
    %get3A_4 = arith.constant 0 : index
    %get3A_5 = arith.constant 0 : index
    %get3A_6 = vector.load %arg2[%get3A_4, %get3A_5] : memref<2048x1xf32, #tpu.memory_space<vmem>>, vector<2048x1xf32>
    %slice3A = vector.extract_strided_slice %get3A_3 {offsets = [0, 100], sizes = [2048, 1], strides = [1, 1]} : vector<2048x112xf32> to vector<2048x1xf32>
    %slice3A_7 = vector.extract_strided_slice %get3A_3 {offsets = [0, 0], sizes = [2048, 100], strides = [1, 1]} : vector<2048x112xf32> to vector<2048x100xf32>
    %sub3A = vector.broadcast %slice3A : vector<2048x1xf32> to vector<2048x100xf32>
    %sub3A_8 = arith.subf %sub3A, %slice3A_7 : vector<2048x100xf32>
    %neg3A = arith.constant 0.000000e+00 : f32
    %neg3A_9 = vector.broadcast %neg3A : f32 to vector<2048x100xf32>
    %neg3A_10 = arith.subf %neg3A_9, %sub3A_8 : vector<2048x100xf32>
    %exp3A = math.exp %neg3A_10 : vector<2048x100xf32>
    %add3A = arith.constant 1.000000e+00 : f32
    %add3A_11 = vector.broadcast %add3A : f32 to vector<2048x100xf32>
    %add3A_12 = arith.addf %add3A_11, %exp3A : vector<2048x100xf32>
    %div3A = arith.constant 1.000000e+00 : f32
    %div3A_13 = vector.broadcast %div3A : f32 to vector<2048x100xf32>
    %div3A_14 = arith.divf %div3A_13, %add3A_12 : vector<2048x100xf32>
    %add3A_15 = arith.constant 9.99999993E-9 : f32
    %add3A_16 = vector.broadcast %add3A_15 : f32 to vector<2048x100xf32>
    %add3A_17 = arith.addf %div3A_14, %add3A_16 : vector<2048x100xf32>
    %log3A = math.log %add3A_17 : vector<2048x100xf32>
    %neg3A_18 = arith.constant 0.000000e+00 : f32
    %neg3A_19 = vector.broadcast %neg3A_18 : f32 to vector<2048x100xf32>
    %neg3A_20 = arith.subf %neg3A_19, %log3A : vector<2048x100xf32>
    %get3A_21 = arith.constant 0 : index
    %get3A_22 = memref.load %arg4[%get3A_21] : memref<2xf32, #tpu.memory_space<smem>>
    %mul3A = vector.broadcast %get3A_6 : vector<2048x1xf32> to vector<2048x100xf32>
    %mul3A_23 = arith.mulf %neg3A_20, %mul3A : vector<2048x100xf32>
    %reduce_sum3A = vector.shape_cast %mul3A_23 : vector<2048x100xf32> to vector<1x2048x100xf32>
    %reduce_sum3A_24 = arith.constant dense<0.000000e+00> : vector<1xf32>
    %reduce_sum3A_25 = vector.multi_reduction <add>, %reduce_sum3A, %reduce_sum3A_24 [1, 2] : vector<1x2048x100xf32> to vector<1xf32>
    %reduce_sum3A_26 = vector.shape_cast %reduce_sum3A_25 : vector<1xf32> to vector<1x1x1xf32>
    %reduce_sum3A_27 = vector.extract %reduce_sum3A_26[0, 0, 0] : f32 from vector<1x1x1xf32>
    %add3A_28 = arith.addf %get3A_22, %reduce_sum3A_27 : f32
    %swap3A = arith.constant 0 : index
    %swap3A_29 = memref.load %arg4[%swap3A] : memref<2xf32, #tpu.memory_space<smem>>
    memref.store %add3A_28, %arg4[%swap3A] : memref<2xf32, #tpu.memory_space<smem>>
    %get3A_30 = arith.constant 1 : index
    %get3A_31 = memref.load %arg4[%get3A_30] : memref<2xf32, #tpu.memory_space<smem>>
    %reduce_sum3A_32 = vector.shape_cast %get3A_6 : vector<2048x1xf32> to vector<1x2048x1xf32>
    %reduce_sum3A_33 = arith.constant dense<0.000000e+00> : vector<1xf32>
    %reduce_sum3A_34 = vector.multi_reduction <add>, %reduce_sum3A_32, %reduce_sum3A_33 [1, 2] : vector<1x2048x1xf32> to vector<1xf32>
    %reduce_sum3A_35 = vector.shape_cast %reduce_sum3A_34 : vector<1xf32> to vector<1x1x1xf32>
    %reduce_sum3A_36 = vector.extract %reduce_sum3A_35[0, 0, 0] : f32 from vector<1x1x1xf32>
    %add3A_37 = arith.addf %get3A_31, %reduce_sum3A_36 : f32
    %swap3A_38 = arith.constant 1 : index
    %swap3A_39 = memref.load %arg4[%swap3A_38] : memref<2xf32, #tpu.memory_space<smem>>
    memref.store %add3A_37, %arg4[%swap3A_38] : memref<2xf32, #tpu.memory_space<smem>>
    %eq3A_40 = arith.constant 9 : i32
    %eq3A_41 = arith.cmpi eq, %arg0, %eq3A_40 : i32
    %convert_element_type3A_42 = arith.extui %eq3A_41 : i1 to i32
    %cond3A_43 = arith.constant 0 : i32
    %cond3A_44 = arith.cmpi ne, %convert_element_type3A_42, %cond3A_43 : i32
    scf.if %cond3A_44 {
      %get3A_45 = arith.constant 0 : index
      %get3A_46 = memref.load %arg4[%get3A_45] : memref<2xf32, #tpu.memory_space<smem>>
      %get3A_47 = arith.constant 1 : index
      %get3A_48 = memref.load %arg4[%get3A_47] : memref<2xf32, #tpu.memory_space<smem>>
      %mul3A_49 = arith.constant 1.000000e+02 : f32
      %mul3A_50 = arith.mulf %get3A_48, %mul3A_49 : f32
      %div3A_51 = arith.divf %get3A_46, %mul3A_50 : f32
      %swap3A_52 = arith.constant 0 : index
      %swap3A_53 = arith.constant 0 : index
      %swap3A_54 = memref.load %arg3[%swap3A_52, %swap3A_53] : memref<1x1xf32, #tpu.memory_space<smem>>
      memref.store %div3A_51, %arg3[%swap3A_52, %swap3A_53] : memref<1x1xf32, #tpu.memory_space<smem>>
    } else {
    }
    return
  }
  func.func @transform_0(%arg0: i32) -> (i32, i32) {
    %c0_i32 = arith.constant 0 : i32
    %c0_i32_0 = arith.constant 0 : i32
    return %arg0, %c0_i32 : i32, i32
  }
  func.func @transform_1(%arg0: i32) -> (i32, i32) {
    %c0_i32 = arith.constant 0 : i32
    %c0_i32_0 = arith.constant 0 : i32
    return %arg0, %c0_i32 : i32, i32
  }
  func.func @transform_2(%arg0: i32) -> (i32, i32) {
    %c0_i32 = arith.constant 0 : i32
    %c0_i32_0 = arith.constant 0 : i32
    %c0_i32_1 = arith.constant 0 : i32
    return %c0_i32, %c0_i32_0 : i32, i32
  }
}

</mosaic_0001>

<sc_bundles>
// kernel: kernel.4.cloned.1.call-start
scs
__scs_entry_jumppad:
0x0: {  	(pc) =	sbr.rel $0x88, $3  }
0x1: {  	(tag) =	ssettag $0x0;
	lr =	simm.s32 $0x1  }
0x2: {  	[smem:$0x3F9C] =	sst lr;
	_ =	strace $0xD0000000  }
0x3: {  	_ = 	snop  }
0x4: {  	_ = 	snop  }
0x5: {  	_ = 	snop  }
0x6: {  	_ = 	snop  }
0x7: {  	_ = 	snop  }
__scs_overlays_trampoline_lowered:
0x8: {  	[smem:$0x3FAB] =	sst s0  }
0x9: {  	[smem:$0x3FAC] =	sst s1  }
0xa: {  	[smem:$0x3FAD] =	sst s2  }
0xb: {  	[smem:$0x3FAE] =	sst s3  }
0xc: {  	[smem:$0x3FAF] =	sst s4  }
0xd: {  	[smem:$0x3FB0] =	sst s5  }
0xe: {  	[smem:$0x3FB1] =	sst s6  }
0xf: {  	[smem:$0x3FB2] =	sst s7  }
0x10: {  	[smem:$0x3FB3] =	sst s8  }
0x11: {  	[smem:$0x3FB4] =	sst s9;
	s0 =	simm.s32 @!p0 $0x0  }
0x12: {  	s1 =	sld [smem:$0x3F9A];
	s0 =	simm.s32 @p0 $0x1  }
0x13: {  	[smem:$0x3FB5] =	sst s0;
	s0 =	simm.s32 @!p1 $0x0  }
0x14: {  	s2 =	sld [smem:$0x3F99];
	s0 =	simm.s32 @p1 $0x1  }
0x15: {  	[smem:$0x3FB6] =	sst s0;
	s0 =	simm.s32 @!p2 $0x0  }
0x16: {  	s3 =	sld [smem:$0x3FDB];
	s0 =	simm.s32 @p2 $0x1  }
0x17: {  	s4 =	simm.s32 $0x1BF5;
	[smem:$0x3FB8] =	sst s0  }
0x18: {  	s0 =	sld [smem:$0x3F9B];
	_ =	swait.ge [sflag:s4], $0x0  }
0x19: {  	s7 =	sld [smem:$0x3F9C]  }
0x1a: {  	s8 =	sadd.s32 $0xFFFFE003, lr  }
0x1b: {  	s9 =	sadd.s32 $0xFFFFFEF7, lr;
	s5 =	simm.s32 $0xFFFFFFFF;
	p2 =	slt.u32 s8, $0xFFFFF086  }
0x1c: {  	p1 =	slt.u32 s9, $0xF7A;
	s5 =	simm.s32 @!p2 $0x0  }
0x1d: {  	s5 =	simm.s32 @p1 $0x1;
	p0 =	seq.s32 s7, s2  }
0x1e: {  	s7 =	smul.u32 @!p0 $0xF7A, s2;
	p2 =	seq.s32 @!p0 s5, $0x0  }
0x1f: {  	s9 =	smul.u32 $0xF7A, s1;
	s8 =	simm.s32 @!p0 $0x1BF5;
	p2 =	por !p2, p0  }
0x20: {  	[sflag:s8] =	ssyncset.s32 @!p0 $0xFFFFF086;
	s6 =	sadd.s32 @!p0 s3, s7;
	s7 =	simm.s32 @!p0 $0x108  }
0x21: {  	s3 =	sadd.s32 s3, s9;
	s6 =	sadd.s32 @!p0 $0x88, s6;
	s7 =	simm.s32 @p2 $0x1082  }
0x22: {  	[simem:s7], [sflag:s8] =	dma.local @!p0 [hbm:s6], $0xF7A  }
0x23: {  	s9 =	sor.u32 $0xD0000000, s2;
	s6 =	simm.s32 $0x108;
	_ =	swait.ge @!p0 [sflag:s8], $0x0  }
0x24: {  	s3 =	sadd.s32 $0x88, s3;
	s6 =	simm.s32 @!p1 $0x1082;
	[sflag:s4] =	ssyncset.s32 $0xFFFFF086  }
0x25: {  	[simem:s6], [sflag:s4] =	dma.local [hbm:s3], $0xF7A  }
0x26: {  	[smem:$0x3F9C] =	sst s1;
	(tag) =	ssettag s2;
	_ =	strace s9  }
0x27: {  	s1 =	sld [smem:$0x3FAC]  }
0x28: {  	s2 =	sld [smem:$0x3FAD]  }
0x29: {  	s4 =	sld [smem:$0x3FAF]  }
0x2a: {  	p0 =	seq.s32 s5, $0x0;
	s5 =	sld [smem:$0x3FB0]  }
0x2b: {  	s6 =	sld [smem:$0x3FB1]  }
0x2c: {  	s7 =	sld [smem:$0x3FB2]  }
0x2d: {  	s3 =	simm.s32 $0x108;
	s8 =	sld [smem:$0x3FB3]  }
0x2e: {  	s3 =	simm.s32 @!p0 $0x1082;
	s9 =	sld [smem:$0x3FB4]  }
0x2f: {  	lr =	sadd.s32 s0, s3;
	s0 =	sld [smem:$0x3FAB]  }
0x30: {  	s3 =	sld [smem:$0x3FAE]  }
0x31: {  	[smem:$0x3FB7] =	sst s10  }
0x32: {  	s10 =	sld [smem:$0x3FB5];
	_ =	sdelay $0x3  }
0x33: {  	p0 =	seq.s32 s10, $0x1;
	s10 =	sld [smem:$0x3FB7];
	_ =	sdelay $0x3  }
0x34: {  	[smem:$0x3FB7] =	sst s10  }
0x35: {  	s10 =	sld [smem:$0x3FB6];
	_ =	sdelay $0x3  }
0x36: {  	p1 =	seq.s32 s10, $0x1;
	s10 =	sld [smem:$0x3FB7];
	_ =	sdelay $0x3  }
0x37: {  	[smem:$0x3FB7] =	sst s10  }
0x38: {  	s10 =	sld [smem:$0x3FB8]  }
0x39: {  	_ = 	snop;
	(pc) =	sbr.ind lr, $3  }
0x3a: {  	_ = 	snop  }
0x3b: {  	_ = 	snop  }
0x3c: {  	p2 =	seq.s32 s10, $0x1;
	s10 =	sld [smem:$0x3FB7]  }
0x3d: {  	_ =	shalt  }
0x3e: {  	_ =	shalt  }
0x3f: {  	_ =	shalt  }
0x40: {  	_ =	shalt  }
0x41: {  	_ =	shalt  }
0x42: {  	_ =	shalt  }
0x43: {  	_ =	shalt  }
0x44: {  	_ =	shalt  }
0x45: {  	_ =	shalt  }
0x46: {  	_ =	shalt  }
0x47: {  	_ =	shalt  }
0x48: {  	_ =	shalt  }
0x49: {  	_ =	shalt  }
0x4a: {  	_ =	shalt  }
0x4b: {  	_ =	shalt  }
0x4c: {  	_ =	shalt  }
0x4d: {  	_ =	shalt  }
0x4e: {  	_ =	shalt  }
0x4f: {  	_ =	shalt  }
0x50: {  	_ =	shalt  }
0x51: {  	_ =	shalt  }
0x52: {  	_ =	shalt  }
0x53: {  	_ =	shalt  }
0x54: {  	_ =	shalt  }
0x55: {  	_ =	shalt  }
0x56: {  	_ =	shalt  }
0x57: {  	_ =	shalt  }
0x58: {  	_ =	shalt  }
0x59: {  	_ =	shalt  }
0x5a: {  	_ =	shalt  }
0x5b: {  	_ =	shalt  }
0x5c: {  	_ =	shalt  }
0x5d: {  	_ =	shalt  }
0x5e: {  	_ =	shalt  }
0x5f: {  	_ =	shalt  }
0x60: {  	_ =	shalt  }
0x61: {  	_ =	shalt  }
0x62: {  	_ =	shalt  }
0x63: {  	_ =	shalt  }
0x64: {  	_ =	shalt  }
0x65: {  	_ =	shalt  }
0x66: {  	_ =	shalt  }
0x67: {  	_ =	shalt  }
0x68: {  	_ =	shalt  }
0x69: {  	_ =	shalt  }
0x6a: {  	_ =	shalt  }
0x6b: {  	_ =	shalt  }
0x6c: {  	_ =	shalt  }
0x6d: {  	_ =	shalt  }
0x6e: {  	_ =	shalt  }
0x6f: {  	_ =	shalt  }
0x70: {  	_ =	shalt  }
0x71: {  	_ =	shalt  }
0x72: {  	_ =	shalt  }
0x73: {  	_ =	shalt  }
0x74: {  	_ =	shalt  }
0x75: {  	_ =	shalt  }
0x76: {  	_ =	shalt  }
0x77: {  	_ =	shalt  }
0x78: {  	_ =	shalt  }
0x79: {  	_ =	shalt  }
0x7a: {  	_ =	shalt  }
0x7b: {  	_ =	shalt  }
0x7c: {  	_ =	shalt  }
0x7d: {  	_ =	shalt  }
0x7e: {  	_ =	shalt  }
0x7f: {  	_ =	shalt  }
0x80: {  	_ =	shalt  }
0x81: {  	_ =	shalt  }
0x82: {  	_ =	shalt  }
0x83: {  	_ =	shalt  }
0x84: {  	_ =	shalt  }
0x85: {  	_ =	shalt  }
0x86: {  	_ =	shalt  }
0x87: {  	_ =	shalt  }
.Lfunc_end0:
.L_simem_size_0:
called_computation_lowered:
.L_overlay_start_0:
0x88: {  	s2 =	sld [smem:$0x3FD9]  }
0x89: {  	s3 =	sld [smem:$0x3FFE];
	_ =	sdelay $0x1  }
0x8a: {  	s1 =	srdreg.scid  }
0x8b: {  	s0 =	sand.u32 $0x1, s1  }
0x8c: {  	s16 =	sshll.u32 s0, $0xA;
	s2 =	sadd.s32 s3, s2  }
0x8d: {  	s2 =	sadd.s32 s2, s16  }
0x8e: {  	[smem:$0x3FC3] =	sst s2  }
0x8f: {  	_ = 	snop  }
0x90: {  	(tm) =	ssettm $0x1  }
0x91: {  	s17 =	sld [smem:$0x3FFB];
	_ =	sdelay $0x3  }
0x92: {  	_ =	strace s17  }
0x93: {  	s2 =	sld [smem:$0x3FFC];
	_ =	sdelay $0x3  }
0x94: {  	_ =	strace s2  }
0x95: {  	s2 =	sld [smem:$0x3FFD];
	_ =	sdelay $0x3  }
0x96: {  	_ =	strace s2  }
0x97: {  	_ =	strace $0x8FFFFFFF  }
0x98: {  	s18 =	sld [smem:$0x3FDB];
	_ =	sdelay $0x1  }
0x99: {  	s19 =	simm.s32 $_scs_section_size  }
0x9a: {  	s4 =	simm.s32 $_size__tile_overlayer_lowered;
	s5 =	simm.s32 $_tile_overlayer_lowered  }
0x9b: {  	s22 =	simm.s32 $0x1BFF;
	s21 =	sshll.u32 s5, $0x1;
	s2 =	sadd.s32 s19, s18  }
0x9c: {  	s6 =	simm.s32 $0x0;
	s20 =	sshll.u32 s4, $0x1;
	s4 =	sadd.s32 s21, s2  }
0x9d: {  	[timem:s6], [sflag:s22] =	dma.local [hbm:s4], s20  }
0x9e: {  	_ =	swait.ge [sflag:s22], s20  }
0x9f: {  	s3 =	ssub.s32 $0x0, s20;
	[sflag:s22] =	ssyncset.done $0x0  }
0xa0: {  	[sflag:s22] =	ssyncadd.s32 s3;
	_ =	sdelay $0x1  }
0xa1: {  	s23 =	simm.s32 $0x1B8B  }
0xa2: {  	_ =	swait.ge [sflag:s23], $0x1  }
0xa3: {  	[sflag:s23] =	ssyncset.done $0x0  }
0xa4: {  	s25 =	simm.s32 $0x1B8E;
	s24 =	sld [smem:$0x3FFE];
	[sflag:s23] =	ssyncadd.s32 $0xFFFFFFFF  }
0xa5: {  	s26 =	simm.s32 $execute0_lowered;
	[smem:$0x3FD2] =	sst s25  }
0xa6: {  	s4 =	sshll.u32 s26, $0x1;
	_ =	strace $0x80000046;
	[dreg:$0x1] =	wrdreg $0xFFFFFFFF  }
0xa7: {  	s28 =	simm.s32 $_size_execute0_lowered;
	s2 =	sadd.s32 s2, s4;
	[dreg:$0x0] =	wrdreg $0x0  }
0xa8: {  	s4 =	sshll.u32 s28, $0x1;
	[dreg:$0x2] =	wrdreg s2  }
0xa9: {  	[dreg:$0x3] =	wrdreg s4  }
0xaa: {  	[dreg:$0x4] =	wrdreg $0xC0  }
0xab: {  	_ =	task [dreg:s6], $0x5FFFF  }
0xac: {  	[dreg:$0x1] =	wrdreg $0xFFFFFFFF  }
0xad: {  	[dreg:$0x0] =	wrdreg $0x60  }
0xae: {  	[dreg:$0x2] =	wrdreg s24  }
0xaf: {  	[dreg:$0x3] =	wrdreg $0x9  }
0xb0: {  	_ =	task.clear_ibuf [dreg:s6], $0x4FFFF;
	_ =	strace $0x90000046  }
0xb1: {  	s29 =	simm.s32 $0x9;
	_ =	strace $0x80000048  }
0xb2: {  	_ =	swait.ge [sflag:s29], $0x1  }
0xb3: {  	[sflag:s29] =	ssyncadd.s32 $0xFFFFFFFF  }
0xb4: {  	_ =	strace $0x90000048  }
0xb5: {  	_ =	sfence  }
0xb6: {  	s30 =	sld [smem:$0x0];
	_ =	sdelay $0x2  }
0xb7: {  	s31 =	sshll.u32 s1, $0xD;
	s1 =	sshrl.u32 s1, $0x2  }
0xb8: {  	s3 =	sand.u32 $0x4000, s31;
	s1 =	sadd.s32 s1, s30  }
0xb9: {  	s0 =	sor.u32 s3, s0;
	s1 =	sshll.u32 s1, $0x11  }
0xba: {  	s0 =	sor.u32 s1, s0  }
0xbb: {  	s0 =	sadd.s32 $0x8F2B, s0  }
0xbc: {  	[sflag:s0] =	ssyncadd.remote.s32 $0x1  }
0xbd: {  	_ =	sfence.sel $0xFFFF  }
0xbe: {  	[dreg:$0x0] =	wrdreg $0xFFFFFFFF;
	(pc) =	sbr.abs _section_cstart, $3  }
0xbf: {  	[dreg:$0x1] =	wrdreg $0xFFFFFFFF  }
0xc0: {  	_ =	task.clear_ibuf [dreg:s6], $0x2FFFF;
	_ =	strace $0x9FFFFFFF  }
0xc1: {  	(tm) =	ssettm $0x7FFFFFFF  }
tec
execute0_lowered:
.L_overlay_start_1:
0x0: {  	(tag) =	ssettag $0x1  }
0x1: {  	s0 =	rddreg [dreg:$0x0];
	s2 =	simm.s32 $0x0;
	s1 =	srdreg.scid  }
0x2: {  	s3 =	stileid.u32;
	s15 =	simm.s32 $0x3;
	s18 =	simm.s32 $0x328  }
0x3: {  	s22 =	simm.s32 $0xD050;
	s23 =	simm.s32 $0x1;
	s24 =	simm.s32 $0x19E50  }
0x4: {  	s25 =	simm.s32 $0x2;
	s1 =	sand.u32 $0x1, s1;
	s4 =	sshll.u32 s3, $0x1  }
0x5: {  	s26 =	simm.s32 $0x1A1D0;
	[smem:$0x7FF] =	sst s2;
	s9 =	sor.u32 s1, s4  }
0x6: {  	s3 =	sadd.s32 $0xC00, s0;
	s5 =	sadd.s32 $0x3F400, s0;
	s6 =	smul.u32 $0x280, s9  }
0x7: {  	s7 =	sadd.s32 $0xF43000, s0;
	s8 =	sadd.s32 $0x67E00, s0;
	s10 =	smul.u32 $0x1F40, s9  }
0x8: {  	_ =	strace $0x80000047;
	s1 =	ssub.s32 $0x2, s1;
	s9 =	smul.u32 $0x1400, s9  }
0x9: {  	s4 =	sadd.s32 $0x67400, s0;
	s28 =	sshrl.u32 s1, $0x1;
	s29 =	sadd.s32 s3, s10  }
0xa: {  	vm0 =	vcmask $0x3F3C;
	s0 =	ssub.s32 s1, s28;
	s31 =	sadd.s32 s5, s9;
	[dreg:$0x2] =	wrdreg s29  }
0xb: {  	s30 =	sshrl.u32 s6, $0x3;
	s0 =	smax.u32 s0, $0x1;
	[dreg:$0x4] =	wrdreg s31  }
0xc: {  	s12 =	sor.u32 $0x8, s6;
	s1 =	sadd.s32 s4, s30;
	[dreg:$0x5] =	wrdreg s0  }
0xd: {  	s13 =	sor.u32 $0x10, s6;
	[dreg:$0x3] =	wrdreg s1;
	s1 =	simm.s32 $0x0  }
.LBB2_1:
0xe: {  	[dreg:$0x6] =	wrdreg s1  }
0xf: {  	s0 =	rddreg [dreg:$0x2]  }
0x10: {  	[tilespmem:s2], [sflag:$0x3] =	stream.linear.gather [hbm4b:s0+s2], $0x320, $0x38;
	[tilespmem:$0x1A550] =	vst v63  }
0x11: {  	_ =	swait.ge [sflag:s15], $0x320  }
0x12: {  	[sflag:s15] =	ssyncset.done $0x0  }
0x13: {  	s21 =	simm.s32 $0x320;
	s20 =	rddreg [dreg:$0x3];
	[sflag:s15] =	ssyncadd.s32 $0xFFFFFCE0  }
0x14: {  	[tilespmem:s21], [sflag:$0x3] =	stream.linear.gather [hbm4b:s20+s2], $0x8, $0x38;
	[tilespmem:$0x1A550] =	vst v63  }
0x15: {  	_ =	swait.ge [sflag:s15], $0x8  }
0x16: {  	[sflag:s15] =	ssyncset.done $0x0  }
0x17: {  	s30 =	simm.s32 $0x19A50;
	s28 =	rddreg [dreg:$0x4];
	[sflag:s15] =	ssyncadd.s32 $0xFFFFFFF8  }
0x18: {  	[tilespmem:s30], [sflag:$0x3] =	stream.linear.gather [hbm4b:s28+s2], $0x200, $0x38;
	[tilespmem:$0x1A550] =	vst v63  }
0x19: {  	_ =	swait.ge [sflag:s15], $0x200  }
0x1a: {  	[sflag:s15] =	ssyncset.done $0x0  }
0x1b: {  	s31 =	simm.s32 $0x650;
	s29 =	simm.s32 $0x0;
	[sflag:s15] =	ssyncadd.s32 $0xFFFFFE00  }
0x1c: {  	[tilespmem:s31], [sflag:$0x1] =	stream.indirect.gather [hbm4b:s7+s18], $0x40, s2, s18, $0xb8;
	[tilespmem:$0x1A550] =	vst v63  }
.LBB2_2:
0x1d: {  	s31 =	sshll.u32 s29, $0x4  }
0x1e: {  	s30 =	sadd.s32 s31, s12  }
0x1f: {  	s0 =	smul.u32 $0x64, s30;
	_ =	sdelay $0x1  }
0x20: {  	s0 =	sshrl.u32 s0, $0x3  }
0x21: {  	s1 =	sadd.s32 s3, s0;
	s0 =	simm.s32 $0x0  }
0x22: {  	[tilespmem:s18], [sflag:$0x3] =	stream.linear.gather [hbm4b:s1+s0], $0x320, $0x38;
	[tilespmem:$0x1A550] =	vst v63  }
0x23: {  	_ =	swait.ge [sflag:s15], $0x320  }
0x24: {  	s20 =	sshrl.u32 s30, $0x3;
	[sflag:s15] =	ssyncset.done $0x0  }
0x25: {  	s9 =	simm.s32 $0x648;
	s1 =	sadd.s32 s4, s20;
	[sflag:s15] =	ssyncadd.s32 $0xFFFFFCE0  }
0x26: {  	[tilespmem:s9], [sflag:$0x3] =	stream.linear.gather [hbm4b:s1+s0], $0x8, $0x38;
	[tilespmem:$0x1A550] =	vst v63  }
0x27: {  	s21 =	sshll.u32 s30, $0x3;
	_ =	swait.ge [sflag:s15], $0x8  }
0x28: {  	s1 =	sand.u32 $0x1FFFFFC0, s21;
	[sflag:s15] =	ssyncset.done $0x0  }
0x29: {  	s28 =	simm.s32 $0x19C50;
	s1 =	sadd.s32 s5, s1;
	[sflag:s15] =	ssyncadd.s32 $0xFFFFFFF8  }
0x2a: {  	[tilespmem:s28], [sflag:$0x3] =	stream.linear.gather [hbm4b:s1+s0], $0x200, $0x38;
	[tilespmem:$0x1A550] =	vst v63  }
0x2b: {  	_ =	swait.ge [sflag:s15], $0x200  }
0x2c: {  	[sflag:s15] =	ssyncset.done $0x0  }
0x2d: {  	[sflag:s15] =	ssyncadd.s32 $0xFFFFFE00  }
0x2e: {  	[tilespmem:s22], [sflag:$0x2] =	stream.indirect.gather [hbm4b:s7+s18], $0x40, s18, s18, $0xb8;
	[tilespmem:$0x1A550] =	vst v63  }
0x2f: {  	_ =	swait.ge [sflag:s23], $0xCA00  }
0x30: {  	[sflag:s23] =	ssyncset.done $0x0  }
0x31: {  	s16 =	simm.s32 $0x0;
	s1 =	simm.s32 $0x6D0;
	[sflag:s23] =	ssyncadd.s32 $0xFFFF3600  }
.LBB2_3:
0x32: {  	v4 =	vld [tilespmem:s1+$0x40]  }
0x33: {  	v5 =	vld [tilespmem:s1+$0x50]  }
0x34: {  	v6 =	vld [tilespmem:s1+$0x60]  }
0x35: {  	v7 =	vld [tilespmem:s1+$0x70]  }
0x36: {  	v8 =	vld [tilespmem:s1+$0xFFFFFF80]  }
0x37: {  	v9 =	vld [tilespmem:s1+$0xFFFFFF90]  }
0x38: {  	s17 =	sshll.u32 s16, $0x6;
	v10 =	vld [tilespmem:s1+$0xFFFFFFA0]  }
0x39: {  	v0 =	vld [tilespmem:s17+$0x19A50]  }
0x3a: {  	v1 =	vld [tilespmem:s17+$0x19A60]  }
0x3b: {  	v2 =	vld [tilespmem:s17+$0x19A70]  }
0x3c: {  	v3 =	vld [tilespmem:s17+$0x19A80]  }
0x3d: {  	v11 =	vld [tilespmem:s1+$0xFFFFFFB0]  }
0x3e: {  	v12 =	vld [tilespmem:s1+$0xFFFFFFC0]  }
0x3f: {  	v13 =	vld [tilespmem:s1+$0xFFFFFFD0]  }
0x40: {  	v14 =	vld [tilespmem:s1+$0xFFFFFFE0];
	v4 =	vmul.f32 v4, v0;
	v5 =	vmul.f32 v5, v1  }
0x41: {  	v15 =	vld [tilespmem:s1+$0xFFFFFFF0];
	v6 =	vmul.f32 v6, v2;
	v7 =	vmul.f32 v7, v3  }
0x42: {  	v16 =	vld [tilespmem:s1+$0x0];
	v8 =	vmul.f32 v8, v0  }
0x43: {  	v9 =	vmul.f32 v9, v1;
	v4 =	vadd.f32 v5, v4;
	v5 =	vadd.f32 v7, v6;
	v6 =	vld [tilespmem:s1+$0x10]  }
0x44: {  	s11 =	sadd.s32 $0x100, s1;
	v7 =	vmul.f32 v10, v2;
	v10 =	vmul.f32 v11, v3;
	v11 =	vld [tilespmem:s1+$0x20]  }
0x45: {  	v8 =	vadd.f32 v9, v8;
	v9 =	vld [tilespmem:s11+$0x40];
	v4 =	vadd.f32 v5, v4  }
0x46: {  	v5 =	vld [tilespmem:s1+$0x30];
	v7 =	vadd.f32 v10, v7;
	v10 =	vmul.f32 v12, v0  }
0x47: {  	v12 =	vmul.f32 v13, v1;
	v13 =	vmul.f32 v14, v2;
	v14 =	vld [tilespmem:s11+$0x60];
	(xrf2) =	vadd.scan.msk.f32 $0xffff, v4  }
0x48: {  	v4 =	vld [tilespmem:s11+$0x50];
	v7 =	vadd.f32 v7, v8;
	v8 =	vmul.f32 v15, v3  }
0x49: {  	s9 =	sadd.s32 $0xFFFFFFFC, s0;
	v15 =	vmul.f32 v16, v0;
	v16 =	vld [tilespmem:s11+$0x70];
	v10 =	vadd.f32 v12, v10  }
0x4a: {  	s14 =	sadd.s32 $0x5, s9;
	v6 =	vmul.f32 v6, v1;
	v11 =	vmul.f32 v11, v2;
	v8 =	vadd.f32 v8, v13  }
0x4b: {  	s19 =	sadd.s32 $0x7, s9;
	v18 =	vld [tilespmem:s11+$0xFFFFFFB0];
	v17 =	vmov s14;
	v9 =	vmul.f32 v9, v0;
	(xrf2) =	vadd.scan.msk.f32 $0xffff, v7;
	v5 =	vmul.f32 v5, v3  }
0x4c: {  	s10 =	sadd.s32 $0x4, s9;
	v12 =	vld [tilespmem:s11+$0xFFFFFF90];
	v13 =	vmov s19;
	v6 =	vadd.f32 v6, v15;
	v8 =	vadd.f32 v8, v10  }
0x4d: {  	v7 =	vld [tilespmem:s11+$0xFFFFFF80];
	v15 =	vmov s10;
	v14 =	vmul.f32 v14, v2;
	v5 =	vadd.f32 v5, v11  }
0x4e: {  	v10 =	vld [tilespmem:s11+$0xFFFFFFA0];
	v15 =	vand.u32 $0xFFFFFFFC, v15;
	v4 =	vmul.f32 v4, v1;
	v16 =	vmul.f32 v16, v3;
	(xrf2) =	vadd.scan.msk.f32 $0xffff, v8  }
0x4f: {  	v11 =	vld [tilespmem:s11+$0xFFFFFFC0];
	v21 =	vbroadcast v15, $0x0;
	v15 =	vand.u32 $0xFFFFFFFD, v17;
	v17 =	vadd.f32 v5, v6  }
0x50: {  	v20 =	vld [tilespmem:s11+$0xFFFFFFD0]  }
0x51: {  	v22 =	vld [tilespmem:s11+$0xFFFFFFE0];
	v12 =	vmul.f32 v12, v1;
	v4 =	vadd.f32 v4, v9;
	v14 =	vadd.f32 v16, v14;
	v5, _, _ =	vpop (xrf2);
	(xrf2) =	vadd.scan.msk.f32 $0xffff, v17  }
0x52: {  	v9 =	vmul.f32 v7, v0;
	v6 =	vld [tilespmem:s11+$0xFFFFFFF0];
	v16 =	vmul.f32 v18, v3  }
0x53: {  	s9 =	sadd.s32 $0x6, s9;
	v7 =	vld [tilespmem:s11+$0x0];
	v10 =	vmul.f32 v10, v2;
	v63 =	vadd.f32 v14, v4;
	[tilespmem:v13+s24+$0x0] =	vst.idx.msk vm0, v5;
	v5 =	vbroadcast v15, $0x0  }
0x54: {  	v19 =	vmov s9;
	v8 =	vld [tilespmem:s11+$0x10];
	v9 =	vadd.f32 v12, v9;
	v12 =	vmul.f32 v11, v0  }
0x55: {  	s9 =	simm.s32 $0x0;
	v13 =	vand.u32 $0xFFFFFFFE, v19;
	v14 =	vadd.f32 v16, v10;
	v10 =	vld [tilespmem:s11+$0x20];
	v15 =	vmul.f32 v20, v1;
	v17, _, _ =	vpop (xrf2);
	(xrf2) =	vadd.scan.msk.f32 $0xffff, v63  }
0x56: {  	s19 =	smul.u32 $0x70, s16;
	s10 =	simm.s32 $0x4;
	v11 =	vld [tilespmem:s11+$0x30];
	s11 =	sadd.s32 $0x100, s11;
	v4 =	vbroadcast v13, $0x0;
	v13 =	vmul.f32 v22, v2;
	[tilespmem:v21+s24+$0x0] =	vst.idx.msk vm0, v17  }
.LBB2_4:
0x57: {  	v16 =	vld [tilespmem:s11+$0x40];
	v9 =	vadd.f32 v14, v9;
	v12 =	vadd.f32 v15, v12;
	v6 =	vmul.f32 v6, v3  }
0x58: {  	v14 =	vld [tilespmem:s11+$0x50];
	v7 =	vmul.f32 v7, v0;
	v15, _, _ =	vpop (xrf2)  }
0x59: {  	s14 =	sadd.s32 s9, s0;
	s9 =	smov.u32 s10;
	v17 =	vld [tilespmem:s11+$0x60];
	v6 =	vadd.f32 v6, v13;
	v8 =	vmul.f32 v8, v1;
	(xrf2) =	vadd.scan.msk.f32 $0xffff, v9;
	[tilespmem:v5+s24+$0x0] =	vst.idx.msk vm0, v15  }
0x5a: {  	s10 =	sadd.s32 $0x4, s10;
	s28 =	sadd.s32 $0x4, s14;
	s20 =	sadd.s32 $0x7, s14;
	v5 =	vld [tilespmem:s11+$0x70];
	v9 =	vmul.f32 v10, v2  }
0x5b: {  	p0 =	slt.u32 s10, $0x60;
	s21 =	sadd.s32 $0x5, s14;
	s14 =	sadd.s32 $0x6, s14;
	v10 =	vld [tilespmem:s11+$0xFFFFFF80];
	v7 =	vadd.f32 v8, v7;
	v8 =	vmul.f32 v11, v3;
	v11 =	vmov s20;
	v13, _, _ =	vpop (xrf2)  }
0x5c: {  	v18 =	vmov s28;
	v6 =	vadd.f32 v6, v12;
	v12 =	vmov s21;
	v15 =	vld [tilespmem:s11+$0xFFFFFF90];
	[tilespmem:v4+s24+$0x0] =	vst.idx.msk vm0, v13  }
0x5d: {  	v13 =	vand.u32 $0xFFFFFFFC, v18;
	v4 =	vld [tilespmem:s11+$0xFFFFFFA0];
	v20 =	vadd.f32 v8, v9;
	v9 =	vmov s14  }
0x5e: {  	v16 =	vmul.f32 v16, v0;
	v12 =	vand.u32 $0xFFFFFFFD, v12;
	v14 =	vmul.f32 v14, v1;
	v18 =	vld [tilespmem:s11+$0xFFFFFFB0];
	(xrf2) =	vadd.scan.msk.f32 $0xffff, v6  }
0x5f: {  	v6 =	vmul.f32 v17, v2;
	v19 =	vld [tilespmem:s11+$0xFFFFFFC0];
	v5 =	vmul.f32 v5, v3;
	v7 =	vadd.f32 v20, v7;
	v8, _, _ =	vpop (xrf2)  }
0x60: {  	v20 =	vbroadcast v13, $0x0;
	v13 =	vand.u32 $0xFFFFFFFE, v9;
	v10 =	vmul.f32 v10, v0;
	v17 =	vld [tilespmem:s11+$0xFFFFFFD0];
	[tilespmem:v11+s24+$0x0] =	vst.idx.msk vm0, v8  }
0x61: {  	v14 =	vadd.f32 v14, v16;
	v8 =	vmul.f32 v15, v1;
	v11 =	vld [tilespmem:s11+$0xFFFFFFE0];
	v15 =	vadd.f32 v5, v6;
	(xrf2) =	vadd.scan.msk.f32 $0xffff, v7  }
.Ltmp0:
0x62: {  	v5 =	vbroadcast v12, $0x0;
	v16 =	vmul.f32 v4, v2;
	v6 =	vld [tilespmem:s11+$0xFFFFFFF0];
	(pc) =	sbr.rel @p0 .LBB2_4-.Ltmp0, $4  }
0x63: {  	v9 =	vadd.f32 v8, v10;
	v10 =	vmul.f32 v18, v3;
	v7 =	vld [tilespmem:s11+$0x0];
	v18 =	vadd.f32 v15, v14;
	v21, _, _ =	vpop (xrf2)  }
0x64: {  	v4 =	vbroadcast v13, $0x0;
	v12 =	vmul.f32 v19, v0;
	v8 =	vld [tilespmem:s11+$0x10]  }
0x65: {  	v14 =	vadd.f32 v10, v16;
	v15 =	vmul.f32 v17, v1;
	v10 =	vld [tilespmem:s11+$0x20];
	(xrf2) =	vadd.scan.msk.f32 $0xffff, v18  }
0x66: {  	v13 =	vmul.f32 v11, v2;
	v11 =	vld [tilespmem:s11+$0x30];
	s11 =	sadd.s32 $0x100, s11;
	[tilespmem:v20+s24+$0x0] =	vst.idx.msk vm0, v21  }
0x67: {  	_ =	sdelay $0x1  }
0x68: {  	v6 =	vmul.f32 v6, v3  }
0x69: {  	v7 =	vmul.f32 v7, v0;
	v8 =	vmul.f32 v8, v1  }
0x6a: {  	v9 =	vadd.f32 v14, v9;
	v10 =	vmul.f32 v10, v2;
	v11 =	vmul.f32 v11, v3  }
0x6b: {  	v12 =	vadd.f32 v15, v12;
	v6 =	vadd.f32 v6, v13  }
0x6c: {  	v7 =	vadd.f32 v8, v7;
	v46 =	vadd.f32 v11, v10  }
0x6d: {  	v6 =	vadd.f32 v6, v12  }
0x6e: {  	(xrf2) =	vadd.scan.msk.f32 $0xffff, v9;
	v7 =	vadd.f32 v46, v7  }
0x6f: {  	s9 =	sadd.s32 s9, s0;
	(xrf2) =	vadd.scan.msk.f32 $0xffff, v6  }
0x70: {  	s10 =	sadd.s32 $0x4, s9;
	(xrf2) =	vadd.scan.msk.f32 $0xffff, v7  }
0x71: {  	s11 =	sadd.s32 $0x7, s9;
	s14 =	sadd.s32 $0x5, s9;
	v47 =	vmov s10  }
0x72: {  	s9 =	sadd.s32 $0x6, s9;
	v48 =	vmov s11;
	v49 =	vmov s14;
	v6 =	vand.u32 $0xFFFFFFFC, v47  }
0x73: {  	v50 =	vmov s9;
	v8 =	vand.u32 $0xFFFFFFFD, v49;
	v6 =	vbroadcast v6, $0x0  }
0x74: {  	v9 =	vand.u32 $0xFFFFFFFE, v50;
	v8 =	vbroadcast v8, $0x0  }
0x75: {  	v51, _, _ =	vpop (xrf2);
	v9 =	vbroadcast v9, $0x0  }
0x76: {  	[tilespmem:v5+s24+$0x0] =	vst.idx.msk vm0, v51;
	v52, _, _ =	vpop (xrf2)  }
0x77: {  	[tilespmem:v4+s24+$0x0] =	vst.idx.msk vm0, v52;
	v53, _, _ =	vpop (xrf2)  }
0x78: {  	[tilespmem:v48+s24+$0x0] =	vst.idx.msk vm0, v53;
	v54, _, _ =	vpop (xrf2)  }
0x79: {  	[tilespmem:v6+s24+$0x0] =	vst.idx.msk vm0, v54;
	v55, _, _ =	vpop (xrf2)  }
0x7a: {  	[tilespmem:v8+s24+$0x0] =	vst.idx.msk vm0, v55;
	v56, _, _ =	vpop (xrf2)  }
0x7b: {  	[tilespmem:v9+s24+$0x0] =	vst.idx.msk vm0, v56  }
0x7c: {  	v4 =	vld [tilespmem:s17+$0xCE50]  }
0x7d: {  	v5 =	vld [tilespmem:s17+$0xCE60]  }
0x7e: {  	v6 =	vld [tilespmem:s17+$0xCE70]  }
0x7f: {  	v7 =	vld [tilespmem:s17+$0xCE80];
	_ =	sdelay $0x3  }
0x80: {  	v57 =	vmul.f32 v4, v0;
	v58 =	vmul.f32 v5, v1  }
0x81: {  	v59 =	vmul.f32 v6, v2;
	v60 =	vmul.f32 v7, v3;
	_ =	sdelay $0x1  }
0x82: {  	v0 =	vadd.f32 v58, v57;
	v61 =	vadd.f32 v60, v59;
	_ =	sdelay $0x1  }
0x83: {  	v0 =	vadd.f32 v61, v0;
	_ =	sdelay $0x1  }
0x84: {  	s28 =	sadd.s32 $0x64, s19;
	(xrf2) =	vadd.scan.msk.f32 $0xffff, v0  }
0x85: {  	v62 =	vmov s28  }
0x86: {  	v0 =	vshrl.u32 v62, $0x3  }
0x87: {  	v0 =	vshll.u32 v0, $0x3  }
0x88: {  	v0 =	vor.u32 $0x4, v0  }
0x89: {  	s16 =	sadd.s32 $0x1, s16;
	v0 =	vbroadcast v0, $0x0  }
0x8a: {  	p0 =	sne.s32 s16, $0x8  }
.Ltmp1:
0x8b: {  	_ = 	snop;
	(pc) =	sbr.rel @p0 .LBB2_3-.Ltmp1, $3  }
0x8c: {  	_ =	sdelay $0x1  }
0x8d: {  	v63, _, _ =	vpop (xrf2)  }
0x8e: {  	s0 =	sadd.s32 $0x70, s0;
	s1 =	sadd.s32 $0x1900, s1;
	[tilespmem:v0+s24+$0x0] =	vst.idx.msk vm0, v63  }
0x8f: {  	s0 =	sadd.s32 s6, s31  }
0x90: {  	s0 =	smul.u32 $0xE, s0;
	_ =	sdelay $0x1  }
0x91: {  	p0 =	seq.s32 s29, $0x27;
	s0 =	sadd.s32 s8, s0  }
0x92: {  	[hbm4b:s0+s2] =	stream.linear.scatter [tilespmem:s24], [sflag:$0x3], $0x380, $0x38;
	[tilespmem:$0x1A550] =	vst v63  }
0x93: {  	s0 =	sadd.s32 @!p0 s31, s13  }
0x94: {  	s1 =	smul.u32 @!p0 $0x64, s0  }
0x95: {  	_ =	swait.ge [sflag:s15], $0x380  }
0x96: {  	[sflag:s15] =	ssyncset.done $0x0;
	s1 =	sshrl.u32 @!p0 s1, $0x3  }
0x97: {  	s9 =	simm.s32 @!p0 $0x0;
	[sflag:s15] =	ssyncadd.s32 $0xFFFFFC80;
	s1 =	sadd.s32 @!p0 s3, s1  }
0x98: {  	[tilespmem:s9], [sflag:$0x3] =	stream.linear.gather @!p0 [hbm4b:s1+s9], $0x320, $0x38;
	[tilespmem:$0x1A550] =	vst v63  }
0x99: {  	s1 =	simm.s32 @!p0 $0x3  }
0x9a: {  	_ =	swait.ge @!p0 [sflag:s1], $0x320  }
0x9b: {  	s10 =	sshrl.u32 @!p0 s0, $0x3;
	[sflag:s1] =	ssyncset.done @!p0 $0x0  }
0x9c: {  	s11 =	simm.s32 @!p0 $0x320;
	s10 =	sadd.s32 @!p0 s4, s10;
	[sflag:s1] =	ssyncadd.s32 @!p0 $0xFFFFFCE0  }
0x9d: {  	[tilespmem:s11], [sflag:$0x3] =	stream.linear.gather @!p0 [hbm4b:s10+s9], $0x8, $0x38;
	[tilespmem:$0x1A550] =	vst v63  }
0x9e: {  	s0 =	sshll.u32 @!p0 s0, $0x3;
	_ =	swait.ge @!p0 [sflag:s1], $0x8  }
0x9f: {  	s0 =	sand.u32 @!p0 $0x1FFFFF80, s0;
	[sflag:s1] =	ssyncset.done @!p0 $0x0  }
0xa0: {  	s0 =	sadd.s32 @!p0 s5, s0;
	s10 =	simm.s32 @!p0 $0x19A50;
	[sflag:s1] =	ssyncadd.s32 @!p0 $0xFFFFFFF8  }
0xa1: {  	[tilespmem:s10], [sflag:$0x3] =	stream.linear.gather @!p0 [hbm4b:s0+s9], $0x200, $0x38;
	[tilespmem:$0x1A550] =	vst v63  }
0xa2: {  	_ =	swait.ge @!p0 [sflag:s1], $0x200  }
0xa3: {  	[sflag:s1] =	ssyncset.done @!p0 $0x0  }
0xa4: {  	s0 =	simm.s32 @!p0 $0x328;
	[sflag:s1] =	ssyncadd.s32 @!p0 $0xFFFFFE00;
	s1 =	simm.s32 @!p0 $0x650  }
0xa5: {  	[tilespmem:s1], [sflag:$0x1] =	stream.indirect.gather @!p0 [hbm4b:s7+s0], $0x40, s9, s0, $0xb8;
	[tilespmem:$0x1A550] =	vst v63  }
0xa6: {  	_ =	swait.ge [sflag:s25], $0xCA00  }
0xa7: {  	s16 =	simm.s32 $0x0;
	[sflag:s25] =	ssyncset.done $0x0  }
0xa8: {  	s0 =	simm.s32 $0x0;
	s1 =	simm.s32 $0xD0D0;
	[sflag:s25] =	ssyncadd.s32 $0xFFFF3600  }
.LBB2_7:
0xa9: {  	v4 =	vld [tilespmem:s1+$0x40]  }
0xaa: {  	v5 =	vld [tilespmem:s1+$0x50]  }
0xab: {  	v6 =	vld [tilespmem:s1+$0x60]  }
0xac: {  	v7 =	vld [tilespmem:s1+$0x70]  }
0xad: {  	v8 =	vld [tilespmem:s1+$0xFFFFFF80]  }
0xae: {  	v9 =	vld [tilespmem:s1+$0xFFFFFF90]  }
0xaf: {  	s17 =	sshll.u32 s16, $0x6;
	v10 =	vld [tilespmem:s1+$0xFFFFFFA0]  }
0xb0: {  	v0 =	vld [tilespmem:s17+$0x19C50]  }
0xb1: {  	v1 =	vld [tilespmem:s17+$0x19C60]  }
0xb2: {  	v2 =	vld [tilespmem:s17+$0x19C70]  }
0xb3: {  	v3 =	vld [tilespmem:s17+$0x19C80]  }
0xb4: {  	v11 =	vld [tilespmem:s1+$0xFFFFFFB0]  }
0xb5: {  	v12 =	vld [tilespmem:s1+$0xFFFFFFC0]  }
0xb6: {  	v13 =	vld [tilespmem:s1+$0xFFFFFFD0]  }
0xb7: {  	v14 =	vld [tilespmem:s1+$0xFFFFFFE0];
	v4 =	vmul.f32 v4, v0;
	v5 =	vmul.f32 v5, v1  }
0xb8: {  	v15 =	vld [tilespmem:s1+$0xFFFFFFF0];
	v6 =	vmul.f32 v6, v2;
	v7 =	vmul.f32 v7, v3  }
0xb9: {  	v16 =	vld [tilespmem:s1+$0x0];
	v8 =	vmul.f32 v8, v0  }
0xba: {  	v9 =	vmul.f32 v9, v1;
	v4 =	vadd.f32 v5, v4;
	v5 =	vadd.f32 v7, v6;
	v6 =	vld [tilespmem:s1+$0x10]  }
0xbb: {  	s11 =	sadd.s32 $0x100, s1;
	v7 =	vmul.f32 v10, v2;
	v10 =	vmul.f32 v11, v3;
	v11 =	vld [tilespmem:s1+$0x20]  }
0xbc: {  	v8 =	vadd.f32 v9, v8;
	v9 =	vld [tilespmem:s11+$0x40];
	v4 =	vadd.f32 v5, v4  }
0xbd: {  	v5 =	vld [tilespmem:s1+$0x30];
	v7 =	vadd.f32 v10, v7;
	v10 =	vmul.f32 v12, v0  }
0xbe: {  	v12 =	vmul.f32 v13, v1;
	v13 =	vmul.f32 v14, v2;
	v14 =	vld [tilespmem:s11+$0x60];
	(xrf2) =	vadd.scan.msk.f32 $0xffff, v4  }
0xbf: {  	v4 =	vld [tilespmem:s11+$0x50];
	v7 =	vadd.f32 v7, v8;
	v8 =	vmul.f32 v15, v3  }
0xc0: {  	s9 =	sadd.s32 $0xFFFFFFFC, s0;
	v15 =	vmul.f32 v16, v0;
	v16 =	vld [tilespmem:s11+$0x70];
	v10 =	vadd.f32 v12, v10  }
0xc1: {  	s19 =	sadd.s32 $0x5, s9;
	v6 =	vmul.f32 v6, v1;
	v11 =	vmul.f32 v11, v2;
	v8 =	vadd.f32 v8, v13  }
0xc2: {  	s14 =	sadd.s32 $0x7, s9;
	v18 =	vld [tilespmem:s11+$0xFFFFFFB0];
	v17 =	vmov s19;
	v9 =	vmul.f32 v9, v0;
	(xrf2) =	vadd.scan.msk.f32 $0xffff, v7;
	v5 =	vmul.f32 v5, v3  }
0xc3: {  	s10 =	sadd.s32 $0x4, s9;
	v12 =	vld [tilespmem:s11+$0xFFFFFF90];
	v13 =	vmov s14;
	v6 =	vadd.f32 v6, v15;
	v8 =	vadd.f32 v8, v10  }
0xc4: {  	v7 =	vld [tilespmem:s11+$0xFFFFFF80];
	v15 =	vmov s10;
	v14 =	vmul.f32 v14, v2;
	v5 =	vadd.f32 v5, v11  }
0xc5: {  	v10 =	vld [tilespmem:s11+$0xFFFFFFA0];
	v15 =	vand.u32 $0xFFFFFFFC, v15;
	v4 =	vmul.f32 v4, v1;
	v16 =	vmul.f32 v16, v3;
	(xrf2) =	vadd.scan.msk.f32 $0xffff, v8  }
0xc6: {  	v11 =	vld [tilespmem:s11+$0xFFFFFFC0];
	v21 =	vbroadcast v15, $0x0;
	v15 =	vand.u32 $0xFFFFFFFD, v17;
	v17 =	vadd.f32 v5, v6  }
0xc7: {  	v20 =	vld [tilespmem:s11+$0xFFFFFFD0]  }
0xc8: {  	v22 =	vld [tilespmem:s11+$0xFFFFFFE0];
	v12 =	vmul.f32 v12, v1;
	v4 =	vadd.f32 v4, v9;
	v14 =	vadd.f32 v16, v14;
	v5, _, _ =	vpop (xrf2);
	(xrf2) =	vadd.scan.msk.f32 $0xffff, v17  }
0xc9: {  	v9 =	vmul.f32 v7, v0;
	v6 =	vld [tilespmem:s11+$0xFFFFFFF0];
	v16 =	vmul.f32 v18, v3  }
0xca: {  	s9 =	sadd.s32 $0x6, s9;
	v7 =	vld [tilespmem:s11+$0x0];
	v10 =	vmul.f32 v10, v2;
	v63 =	vadd.f32 v14, v4;
	[tilespmem:v13+s26+$0x0] =	vst.idx.msk vm0, v5;
	v5 =	vbroadcast v15, $0x0  }
0xcb: {  	v19 =	vmov s9;
	v8 =	vld [tilespmem:s11+$0x10];
	v9 =	vadd.f32 v12, v9;
	v12 =	vmul.f32 v11, v0  }
0xcc: {  	s19 =	smul.u32 $0x70, s16;
	v13 =	vand.u32 $0xFFFFFFFE, v19;
	v14 =	vadd.f32 v16, v10;
	v10 =	vld [tilespmem:s11+$0x20];
	v15 =	vmul.f32 v20, v1;
	v17, _, _ =	vpop (xrf2);
	(xrf2) =	vadd.scan.msk.f32 $0xffff, v63  }
0xcd: {  	s9 =	simm.s32 $0x0;
	s10 =	simm.s32 $0x4;
	v11 =	vld [tilespmem:s11+$0x30];
	s11 =	sadd.s32 $0x100, s11;
	v4 =	vbroadcast v13, $0x0;
	v13 =	vmul.f32 v22, v2;
	[tilespmem:v21+s26+$0x0] =	vst.idx.msk vm0, v17  }
.LBB2_8:
0xce: {  	v16 =	vld [tilespmem:s11+$0x40];
	v9 =	vadd.f32 v14, v9;
	v12 =	vadd.f32 v15, v12;
	v6 =	vmul.f32 v6, v3  }
0xcf: {  	v14 =	vld [tilespmem:s11+$0x50];
	v7 =	vmul.f32 v7, v0;
	v15, _, _ =	vpop (xrf2)  }
0xd0: {  	s14 =	sadd.s32 s9, s0;
	s9 =	smov.u32 s10;
	v17 =	vld [tilespmem:s11+$0x60];
	v6 =	vadd.f32 v6, v13;
	v8 =	vmul.f32 v8, v1;
	(xrf2) =	vadd.scan.msk.f32 $0xffff, v9;
	[tilespmem:v5+s26+$0x0] =	vst.idx.msk vm0, v15  }
0xd1: {  	s10 =	sadd.s32 $0x4, s10;
	s20 =	sadd.s32 $0x4, s14;
	s21 =	sadd.s32 $0x7, s14;
	v5 =	vld [tilespmem:s11+$0x70];
	v9 =	vmul.f32 v10, v2  }
0xd2: {  	p0 =	slt.u32 s10, $0x60;
	s28 =	sadd.s32 $0x5, s14;
	s14 =	sadd.s32 $0x6, s14;
	v10 =	vld [tilespmem:s11+$0xFFFFFF80];
	v7 =	vadd.f32 v8, v7;
	v8 =	vmul.f32 v11, v3;
	v11 =	vmov s21;
	v13, _, _ =	vpop (xrf2)  }
0xd3: {  	v18 =	vmov s20;
	v6 =	vadd.f32 v6, v12;
	v12 =	vmov s28;
	v15 =	vld [tilespmem:s11+$0xFFFFFF90];
	[tilespmem:v4+s26+$0x0] =	vst.idx.msk vm0, v13  }
0xd4: {  	v13 =	vand.u32 $0xFFFFFFFC, v18;
	v4 =	vld [tilespmem:s11+$0xFFFFFFA0];
	v20 =	vadd.f32 v8, v9;
	v9 =	vmov s14  }
0xd5: {  	v16 =	vmul.f32 v16, v0;
	v12 =	vand.u32 $0xFFFFFFFD, v12;
	v14 =	vmul.f32 v14, v1;
	v18 =	vld [tilespmem:s11+$0xFFFFFFB0];
	(xrf2) =	vadd.scan.msk.f32 $0xffff, v6  }
0xd6: {  	v6 =	vmul.f32 v17, v2;
	v19 =	vld [tilespmem:s11+$0xFFFFFFC0];
	v5 =	vmul.f32 v5, v3;
	v7 =	vadd.f32 v20, v7;
	v8, _, _ =	vpop (xrf2)  }
0xd7: {  	v20 =	vbroadcast v13, $0x0;
	v13 =	vand.u32 $0xFFFFFFFE, v9;
	v10 =	vmul.f32 v10, v0;
	v17 =	vld [tilespmem:s11+$0xFFFFFFD0];
	[tilespmem:v11+s26+$0x0] =	vst.idx.msk vm0, v8  }
0xd8: {  	v14 =	vadd.f32 v14, v16;
	v8 =	vmul.f32 v15, v1;
	v11 =	vld [tilespmem:s11+$0xFFFFFFE0];
	v15 =	vadd.f32 v5, v6;
	(xrf2) =	vadd.scan.msk.f32 $0xffff, v7  }
.Ltmp2:
0xd9: {  	v5 =	vbroadcast v12, $0x0;
	v16 =	vmul.f32 v4, v2;
	v6 =	vld [tilespmem:s11+$0xFFFFFFF0];
	(pc) =	sbr.rel @p0 .LBB2_8-.Ltmp2, $4  }
0xda: {  	v9 =	vadd.f32 v8, v10;
	v10 =	vmul.f32 v18, v3;
	v7 =	vld [tilespmem:s11+$0x0];
	v18 =	vadd.f32 v15, v14;
	v21, _, _ =	vpop (xrf2)  }
0xdb: {  	v4 =	vbroadcast v13, $0x0;
	v12 =	vmul.f32 v19, v0;
	v8 =	vld [tilespmem:s11+$0x10]  }
0xdc: {  	v14 =	vadd.f32 v10, v16;
	v15 =	vmul.f32 v17, v1;
	v10 =	vld [tilespmem:s11+$0x20];
	(xrf2) =	vadd.scan.msk.f32 $0xffff, v18  }
0xdd: {  	v13 =	vmul.f32 v11, v2;
	v11 =	vld [tilespmem:s11+$0x30];
	s11 =	sadd.s32 $0x100, s11;
	[tilespmem:v20+s26+$0x0] =	vst.idx.msk vm0, v21  }
0xde: {  	_ =	sdelay $0x1  }
0xdf: {  	v6 =	vmul.f32 v6, v3  }
0xe0: {  	v7 =	vmul.f32 v7, v0;
	v8 =	vmul.f32 v8, v1  }
0xe1: {  	v9 =	vadd.f32 v14, v9;
	v10 =	vmul.f32 v10, v2;
	v11 =	vmul.f32 v11, v3  }
0xe2: {  	v12 =	vadd.f32 v15, v12;
	v6 =	vadd.f32 v6, v13  }
0xe3: {  	v7 =	vadd.f32 v8, v7;
	v46 =	vadd.f32 v11, v10  }
0xe4: {  	v6 =	vadd.f32 v6, v12  }
0xe5: {  	(xrf2) =	vadd.scan.msk.f32 $0xffff, v9;
	v7 =	vadd.f32 v46, v7  }
0xe6: {  	s9 =	sadd.s32 s9, s0;
	(xrf2) =	vadd.scan.msk.f32 $0xffff, v6  }
0xe7: {  	s10 =	sadd.s32 $0x4, s9;
	(xrf2) =	vadd.scan.msk.f32 $0xffff, v7  }
0xe8: {  	s11 =	sadd.s32 $0x7, s9;
	s14 =	sadd.s32 $0x5, s9;
	v47 =	vmov s10  }
0xe9: {  	s9 =	sadd.s32 $0x6, s9;
	v48 =	vmov s11;
	v49 =	vmov s14;
	v6 =	vand.u32 $0xFFFFFFFC, v47  }
0xea: {  	v50 =	vmov s9;
	v8 =	vand.u32 $0xFFFFFFFD, v49;
	v6 =	vbroadcast v6, $0x0  }
0xeb: {  	v9 =	vand.u32 $0xFFFFFFFE, v50;
	v8 =	vbroadcast v8, $0x0  }
0xec: {  	v51, _, _ =	vpop (xrf2);
	v9 =	vbroadcast v9, $0x0  }
0xed: {  	[tilespmem:v5+s26+$0x0] =	vst.idx.msk vm0, v51;
	v52, _, _ =	vpop (xrf2)  }
0xee: {  	[tilespmem:v4+s26+$0x0] =	vst.idx.msk vm0, v52;
	v53, _, _ =	vpop (xrf2)  }
0xef: {  	[tilespmem:v48+s26+$0x0] =	vst.idx.msk vm0, v53;
	v54, _, _ =	vpop (xrf2)  }
0xf0: {  	[tilespmem:v6+s26+$0x0] =	vst.idx.msk vm0, v54;
	v55, _, _ =	vpop (xrf2)  }
0xf1: {  	[tilespmem:v8+s26+$0x0] =	vst.idx.msk vm0, v55;
	v56, _, _ =	vpop (xrf2)  }
0xf2: {  	[tilespmem:v9+s26+$0x0] =	vst.idx.msk vm0, v56  }
0xf3: {  	v4 =	vld [tilespmem:s17+$0x19850]  }
0xf4: {  	v5 =	vld [tilespmem:s17+$0x19860]  }
0xf5: {  	v6 =	vld [tilespmem:s17+$0x19870]  }
0xf6: {  	v7 =	vld [tilespmem:s17+$0x19880];
	_ =	sdelay $0x3  }
0xf7: {  	v57 =	vmul.f32 v4, v0;
	v58 =	vmul.f32 v5, v1  }
0xf8: {  	v59 =	vmul.f32 v6, v2;
	v60 =	vmul.f32 v7, v3;
	_ =	sdelay $0x1  }
0xf9: {  	v0 =	vadd.f32 v58, v57;
	v61 =	vadd.f32 v60, v59;
	_ =	sdelay $0x1  }
0xfa: {  	v0 =	vadd.f32 v61, v0;
	_ =	sdelay $0x1  }
0xfb: {  	s31 =	sadd.s32 $0x64, s19;
	(xrf2) =	vadd.scan.msk.f32 $0xffff, v0  }
0xfc: {  	v62 =	vmov s31  }
0xfd: {  	v0 =	vshrl.u32 v62, $0x3  }
0xfe: {  	v0 =	vshll.u32 v0, $0x3  }
0xff: {  	v0 =	vor.u32 $0x4, v0  }
0x100: {  	s16 =	sadd.s32 $0x1, s16;
	v0 =	vbroadcast v0, $0x0  }
0x101: {  	p0 =	sne.s32 s16, $0x8  }
.Ltmp3:
0x102: {  	_ = 	snop;
	(pc) =	sbr.rel @p0 .LBB2_7-.Ltmp3, $3  }
0x103: {  	_ =	sdelay $0x1  }
0x104: {  	v63, _, _ =	vpop (xrf2)  }
0x105: {  	s0 =	sadd.s32 $0x70, s0;
	s1 =	sadd.s32 $0x1900, s1;
	[tilespmem:v0+s26+$0x0] =	vst.idx.msk vm0, v63  }
0x106: {  	s0 =	smul.u32 $0xE, s30;
	s29 =	sadd.s32 $0x1, s29  }
0x107: {  	p0 =	sne.s32 s29, $0x28  }
.Ltmp4:
0x108: {  	s0 =	sadd.s32 s8, s0;
	(pc) =	sbr.rel @p0 .LBB2_2-.Ltmp4, $4  }
0x109: {  	[hbm4b:s0+s2] =	stream.linear.scatter [tilespmem:s26], [sflag:$0x3], $0x380, $0x38;
	[tilespmem:$0x1A550] =	vst v63  }
0x10a: {  	_ =	swait.ge [sflag:s15], $0x380  }
0x10b: {  	[sflag:s15] =	ssyncset.done $0x0  }
0x10c: {  	[sflag:s15] =	ssyncadd.s32 $0xFFFFFC80  }
0x10d: {  	s1 =	rddreg [dreg:$0x6]  }
0x10e: {  	s0 =	rddreg [dreg:$0x5];
	s1 =	sadd.s32 $0x1, s1  }
0x10f: {  	p0 =	sne.s32 s1, s0  }
.Ltmp5:
0x110: {  	_ = 	snop;
	(pc) =	sbr.rel @p0 .LBB2_1-.Ltmp5, $1  }
0x111: {  	_ =	sdelay $0x3  }
0x112: {  	_ =	sfence.sel $0x180000  }
0x113: {  	[bflag:$0x0] =	sbarrier.arrive $0xFFFF  }
0x114: {  	_ =	strace $0x90000047  }
0x115: {  	s0 =	stileid.u32;
	[bflag:$0x2] =	sbarrier.arrive $0xFFFF  }
0x116: {  	p0 =	sne.s32 s0, $0x0;
	s0 =	rddreg [dreg:$0x1]  }
0x117: {  	s0 =	sadd.s32 @!p0 $0x100000, s0  }
0x118: {  	[sflag:s0] =	ssyncadd.tile.s32 @!p0 $0x1;
	_ =	shalt  }
.Lfunc_end2:
_tile_overlayer_lowered:
.L_overlay_start_2:
0x119: {  	(tag) =	ssettag $0x2  }
0x11a: {  	s0 =	rddreg [dreg:$0x0];
	s2 =	stileid.u32  }
0x11b: {  	s1 =	rddreg [dreg:$0x1];
	p0 =	sne.s32 s2, $0x0  }
0x11c: {  	s3 =	rddreg [dreg:$0x2];
	[bflag:$0x3] =	sbarrier.arrive $0xFFFF;
	s2 =	simm.s32 @!p0 $0x1C03  }
0x11d: {  	[timem:s3], [sflag:s2] =	dma.local @!p0 [hbm:s0], s1  }
0x11e: {  	s0 =	simm.s32 @!p0 $0x3  }
0x11f: {  	_ =	swait.ge @!p0 [sflag:s0], s1  }
0x120: {  	s1 =	ssub.s32 @!p0 $0x0, s1;
	[sflag:s0] =	ssyncset.done @!p0 $0x0  }
0x121: {  	[sflag:s0] =	ssyncadd.s32 @!p0 s1  }
0x122: {  	[bflag:$0x3] =	sbarrier.arrive $0xFFFF  }
0x123: {  	_ =	shalt  }

</sc_bundles>
